<compile_context>
chip_gen: v7x
topology: tpu7x:2x2x1
jax: 0.10.2.dev20260603
libtpu: 0.0.44.dev20260713+nightly
codegen_flags: <defaults>
</compile_context>

<pallas_src>
import functools

import jax
import jax.numpy as jnp
from jax import lax
from jax.experimental import pallas as pl
from jax.experimental.pallas import tpu as pltpu
from jax.experimental.pallas import tpu_sc as plsc

B, N, D, M = 8, 2048, 256, 18
R = 256


def _sc_anchor_ego(pm_t, at_p, ea_bc):
    info = plsc.get_sparse_core_info()
    nc = info.num_cores
    mesh = plsc.VectorSubcoreMesh(core_axis_name="c", subcore_axis_name="s")

    @functools.partial(
        pl.kernel,
        mesh=mesh,
        out_type=[
            jax.ShapeDtypeStruct((B, 9, 1, N + M), jnp.float32),
            jax.ShapeDtypeStruct((M, B, D), jnp.float32),
        ],
        scratch_types=[
            pltpu.VMEM((M, D), jnp.float32),
            pltpu.VMEM((9, N + M), jnp.float32),
            pltpu.VMEM((9, 128), jnp.float32),
            pltpu.SemaphoreType.DMA,
        ],
    )
    def k(pm_hbm, at_hbm, ea_hbm, ta_hbm, ef_hbm, pbuf, abuf, tbuf, sq):
        w = lax.axis_index("s") * nc + lax.axis_index("c")
        b = w // 4
        q = w % 4

        @pl.when(q == 0)
        def _anchor():
            pltpu.async_copy(at_hbm.at[:, b, :], abuf.at[:, pl.ds(0, N)], sq).wait()
            pltpu.async_copy(ea_hbm, tbuf, sq).wait()
            for j in range(9):
                sp = tbuf[j, pl.ds(0, 16)]
                abuf[j, pl.ds(N, 16)] = sp
                abuf[j, pl.ds(N + 2, 16)] = sp
            pltpu.async_copy(abuf, ta_hbm.at[b, :, 0, :], sq).wait()

        @pl.when(q == 1)
        def _ef():
            pltpu.async_copy(pm_hbm.at[b, :, 0, :], pbuf, sq).wait()
            pltpu.async_copy(pbuf, ef_hbm.at[:, b, :], sq).wait()

    return k(pm_t, at_p, ea_bc)


def _tc_small(ea):
    def body(ea_ref, mask_ref, eat_ref, bc_ref):
        col = ea_ref[...].reshape(9, 1)
        bc_ref[...] = jnp.broadcast_to(col, (9, 128))
        eat_ref[...] = jnp.broadcast_to(col[:, :, None], (9, B, M))
        mask_ref[...] = jnp.zeros((1, B, N + M), jnp.bool_)

    return pl.pallas_call(
        body,
        out_shape=[
            jax.ShapeDtypeStruct((1, B, N + M), jnp.bool_),
            jax.ShapeDtypeStruct((9, B, M), jnp.float32),
            jax.ShapeDtypeStruct((9, 128), jnp.float32),
        ],
    )(ea)


def _tc_tif(af, pm_t):
    H = N // 2

    def body(af_ref, pm_ref, out_ref, sem0, sem1, psem):
        b = pl.program_id(0)
        cpm = pltpu.make_async_copy(
            pm_ref.at[0, :, 0, :], out_ref.at[b, pl.ds(N, M), 0, :], psem)
        cpm.start()
        c0 = pltpu.make_async_copy(
            af_ref.at[0, pl.ds(0, H), :], out_ref.at[b, pl.ds(0, H), 0, :], sem0)
        c1 = pltpu.make_async_copy(
            af_ref.at[0, pl.ds(H, H), :], out_ref.at[b, pl.ds(H, H), 0, :], sem1)
        c0.start()
        c1.start()
        c0.wait()
        c1.wait()
        cpm.wait()

    return pl.pallas_call(
        body,
        grid=(B,),
        in_specs=[
            pl.BlockSpec((1, N, D), lambda b: (b, 0, 0)),
            pl.BlockSpec((1, M, 1, D), lambda b: (b, 0, 0, 0)),
        ],
        out_specs=pl.BlockSpec(memory_space=pl.ANY),
        out_shape=jax.ShapeDtypeStruct((B, N + M, 1, D), jnp.float32),
        scratch_shapes=[pltpu.SemaphoreType.DMA, pltpu.SemaphoreType.DMA,
                        pltpu.SemaphoreType.DMA],
    )(af, pm_t)


def kernel(agent_target, agent_feature, agent_mask, plan_mode_query, ego_anchor, batch_size):
    pm_t = plan_mode_query.transpose(0, 2, 1, 3)
    at_p = agent_target.transpose(2, 0, 1)

    mask_p, eat_p, ea_bc = _tc_small(ego_anchor)
    ta_p, ef_p = _sc_anchor_ego(pm_t, at_p, ea_bc)
    tif = _tc_tif(agent_feature, pm_t)

    ego_feature = ef_p.transpose(1, 0, 2)
    ego_anchor_t = eat_p.transpose(1, 2, 0)
    temp_anchor = ta_p.transpose(0, 3, 2, 1)
    temp_mask = mask_p.transpose(1, 2, 0)
    return (ego_feature, ego_anchor_t, tif, temp_anchor, temp_mask)

# --- scband reference (transcript-rebuilt; emitter-appended) ---
"""Pipeline reference for scband-dlpinstance-queue-18957985644644 (READ-ONLY COPY).

The authoritative reference and input builder live on the scoring server;
editing this copy changes nothing except your own understanding.
"""

import jax, jax.numpy as jnp
import numpy as np

QUEUE_LENGTH = 4


def setup_inputs(seed: int = 0) -> dict:
    key = jax.random.key(seed)
    k1, k2, k3 = jax.random.split(key, 3)
    B, N, D, M = 8, 2048, 256, 18
    agent_target = jax.random.normal(k1, (B, N, 9), dtype=jnp.float32)
    agent_feature = jax.random.normal(k2, (B, N, D), dtype=jnp.float32)
    agent_mask = jnp.ones((B, N), dtype=bool)
    plan_mode_query = jax.random.normal(k3, (B, 1, M, D), dtype=jnp.float32)
    ego_anchor = jnp.array([[0.0, 0.5, -1.84 + 1.56 / 2, np.log(4.08), np.log(1.73), np.log(1.56), np.pi / 2, 0.0, 0.0]], dtype=jnp.float32)
    return {
        'agent_target': agent_target,
        'agent_feature': agent_feature,
        'agent_mask': agent_mask,
        'plan_mode_query': plan_mode_query,
        'ego_anchor': ego_anchor,
        'batch_size': 8,
    }


def reference(agent_target, agent_feature, agent_mask, plan_mode_query, ego_anchor, batch_size):
    # Cold-start path of DLPInstanceQueue.get(): self.period is None, so mask is
    # all-False and the module resets its queues before populating them once.
    B = agent_feature.shape[0]
    N = agent_feature.shape[1]
    M = plan_mode_query.shape[2]

    # ---- prepare_motion (period == None branch) ----
    period = jnp.zeros((B, N), dtype=jnp.int32)
    instance_feature_queue = [jax.lax.stop_gradient(agent_feature)]  # .detach()
    anchor_queue = [jax.lax.stop_gradient(agent_target)]             # .detach()
    period = jnp.clip(period + 1, 0, QUEUE_LENGTH)

    # ---- prepare_planning ----
    ego_feature = jnp.squeeze(jnp.transpose(plan_mode_query, (0, 2, 1, 3)), axis=2)  # [B, M, D]
    ego_anchor_t = jnp.tile(ego_anchor[None], (B, 1, 1))            # [B, 1, 9]
    # multi_ego_anchor is False -> repeat over mode dim
    ego_anchor_t = jnp.tile(ego_anchor_t, (1, ego_feature.shape[1], 1))  # [B, M, 9]
    ego_period = jnp.zeros((B, 1), dtype=jnp.int32)
    ego_feature_queue = [jax.lax.stop_gradient(ego_feature)]
    ego_anchor_queue = [jax.lax.stop_gradient(ego_anchor_t)]
    ego_period = jnp.clip(ego_period + 1, 0, QUEUE_LENGTH)

    # ---- assemble temporal memory ----
    temp_instance_feature = jnp.stack(instance_feature_queue, axis=2)  # [B, N, T, D]
    temp_anchor = jnp.stack(anchor_queue, axis=2)                      # [B, N, T, 9]
    temp_ego_feature = jnp.stack(ego_feature_queue, axis=2)            # [B, M, T, D]
    temp_ego_anchor = jnp.stack(ego_anchor_queue, axis=2)              # [B, M, T, 9]

    ego_period_rep = jnp.tile(ego_period, (1, M))                      # [B, M]
    period_cat = jnp.concatenate([period, ego_period_rep], axis=1)     # [B, N+M]
    temp_instance_feature = jnp.concatenate([temp_instance_feature, temp_ego_feature], axis=1)
    temp_anchor = jnp.concatenate([temp_anchor, temp_ego_anchor], axis=1)

    num_agent = temp_anchor.shape[1]
    T = len(anchor_queue)
    temp_mask = jnp.arange(T, 0, -1, dtype=jnp.int32)
    temp_mask = jnp.tile(temp_mask[None, None], (B, num_agent, 1))
    temp_mask = temp_mask > period_cat[..., None]

    return (ego_feature, ego_anchor_t, temp_instance_feature, temp_anchor, temp_mask)

if __name__ == "__main__":
    import jax
    _d = setup_inputs()
    print(jax.jit(kernel)(*tuple(_d.values())))

</pallas_src>

<mosaic_0001>
#map = affine_map<(d0, d1) -> (0, 0, 0, 0)>
#map1 = affine_map<(d0, d1) -> (0, 0, 0)>
#map2 = affine_map<(d0, d1) -> (0, 0)>
module attributes {stable_mosaic.version = 14 : i64} {
  func.func @k(%arg0: i32, %arg1: i32, %arg2: memref<8x18x1x256xf32, #tpu.memory_space<hbm>>, %arg3: memref<9x8x2048xf32, #tpu.memory_space<hbm>>, %arg4: memref<9x128xf32, #tpu.memory_space<hbm>>, %arg5: memref<8x9x1x2066xf32, #tpu.memory_space<hbm>>, %arg6: memref<18x8x256xf32, #tpu.memory_space<hbm>>, %arg7: memref<18x256xf32, #tpu.memory_space<vmem>>, %arg8: memref<9x2066xf32, #tpu.memory_space<vmem>>, %arg9: memref<9x128xf32, #tpu.memory_space<vmem>>, %arg10: memref<!tpu.dma_semaphore, #tpu.memory_space<semaphore_mem>>) attributes {dimension_semantics = [#tpu.dimension_semantics<core_parallel>, #tpu.dimension_semantics<subcore_parallel>], iteration_bounds = array<i64: 2, 16>, scalar_prefetch = 0 : i64, scratch_operands = 4 : i64, tpu.core_type = #tpu.core_type<sc_vector_subcore>, window_params = [{transform_indices = #map}, {transform_indices = #map1}, {transform_indices = #map2}, {transform_indices = #map}, {transform_indices = #map1}]} {
    %mul3A = arith.constant 2 : i32
    %mul3A_0 = arith.muli %arg1, %mul3A : i32
    %add3A = arith.addi %mul3A_0, %arg0 : i32
    %jit3A = arith.constant 4 : i32
    %div3A = arith.divsi %add3A, %jit3A : i32
    %sign3A = arith.constant 0 : i32
    %sign3A_1 = arith.cmpi sgt, %add3A, %sign3A : i32
    %sign3A_2 = arith.extui %sign3A_1 : i1 to i32
    %sign3A_3 = arith.constant 0 : i32
    %sign3A_4 = arith.cmpi slt, %add3A, %sign3A_3 : i32
    %sign3A_5 = arith.extui %sign3A_4 : i1 to i32
    %sign3A_6 = arith.subi %sign3A_2, %sign3A_5 : i32
    %sign3A_7 = arith.constant 0 : i32
    %sign3A_8 = arith.cmpi sgt, %jit3A, %sign3A_7 : i32
    %sign3A_9 = arith.extui %sign3A_8 : i1 to i32
    %sign3A_10 = arith.constant 0 : i32
    %sign3A_11 = arith.cmpi slt, %jit3A, %sign3A_10 : i32
    %sign3A_12 = arith.extui %sign3A_11 : i1 to i32
    %sign3A_13 = arith.subi %sign3A_9, %sign3A_12 : i32
    %ne3A = arith.cmpi ne, %sign3A_6, %sign3A_13 : i32
    %rem3A = arith.remsi %add3A, %jit3A : i32
    %ne3A_14 = arith.constant 0 : i32
    %ne3A_15 = arith.cmpi ne, %rem3A, %ne3A_14 : i32
    %and3A = arith.andi %ne3A, %ne3A_15 : i1
    %sub3A = arith.constant 1 : i32
    %sub3A_16 = arith.subi %div3A, %sub3A : i32
    %select_n3A = arith.select %and3A, %sub3A_16, %div3A : i32
    %jit3A_17 = arith.constant 4 : i32
    %eq3A = arith.constant 0 : i32
    %eq3A_18 = arith.cmpi eq, %jit3A_17, %eq3A : i32
    %jit3A_19 = arith.constant 1 : i32
    %select_n3A_20 = arith.select %eq3A_18, %jit3A_19, %jit3A_17 : i32
    %rem3A_21 = arith.remsi %add3A, %select_n3A_20 : i32
    %ne3A_22 = arith.constant 0 : i32
    %ne3A_23 = arith.cmpi ne, %rem3A_21, %ne3A_22 : i32
    %lt3A = arith.constant 0 : i32
    %lt3A_24 = arith.cmpi slt, %rem3A_21, %lt3A : i32
    %lt3A_25 = arith.constant 0 : i32
    %lt3A_26 = arith.cmpi slt, %select_n3A_20, %lt3A_25 : i32
    %ne3A_27 = arith.xori %lt3A_24, %lt3A_26 : i1
    %and3A_28 = arith.andi %ne3A_27, %ne3A_23 : i1
    %add3A_29 = arith.addi %rem3A_21, %select_n3A_20 : i32
    %select_n3A_30 = arith.select %and3A_28, %add3A_29, %rem3A_21 : i32
    %eq3A_31 = arith.constant 0 : i32
    %eq3A_32 = arith.cmpi eq, %select_n3A_30, %eq3A_31 : i32
    %convert_element_type3A = arith.extui %eq3A_32 : i1 to i32
    %cond3A = arith.constant 0 : i32
    %cond3A_33 = arith.cmpi ne, %convert_element_type3A, %cond3A : i32
    scf.if %cond3A_33 {
      %dma_start3A = arith.constant 0 : i32
      %dma_start3A_39 = arith.constant 0 : i32
      %dma_start3A_40 = tpu.memref_slice %arg8[%dma_start3A, %dma_start3A_39] : memref<9x2066xf32, #tpu.memory_space<vmem>> -> memref<9x2048xf32, #tpu.memory_space<vmem>>
      %dma_start3A_41 = arith.constant 0 : i32
      %dma_start3A_42 = arith.constant 0 : i32
      %dma_start3A_43 = tpu.memref_slice %arg3[%dma_start3A_41, %select_n3A, %dma_start3A_42] : memref<9x8x2048xf32, #tpu.memory_space<hbm>> -> memref<9x1x2048xf32, #tpu.memory_space<hbm>>
      %dma_start3A_44 = tpu.memref_squeeze %dma_start3A_43 : memref<9x1x2048xf32, #tpu.memory_space<hbm>> -> memref<9x2048xf32, #tpu.memory_space<hbm>>
      %dma_start3A_45 = arith.constant 0 : i32
      %dma_start3A_46 = arith.constant 0 : i32
      %dma_start3A_47 = tpu.memref_slice %arg8[%dma_start3A_45, %dma_start3A_46] : memref<9x2066xf32, #tpu.memory_space<vmem>> -> memref<9x2048xf32, #tpu.memory_space<vmem>>
      %dma_start3A_48 = arith.constant 0 : i32
      %dma_start3A_49 = arith.constant 0 : i32
      %dma_start3A_50 = tpu.memref_slice %arg3[%dma_start3A_48, %select_n3A, %dma_start3A_49] : memref<9x8x2048xf32, #tpu.memory_space<hbm>> -> memref<9x1x2048xf32, #tpu.memory_space<hbm>>
      %dma_start3A_51 = tpu.memref_squeeze %dma_start3A_50 : memref<9x1x2048xf32, #tpu.memory_space<hbm>> -> memref<9x2048xf32, #tpu.memory_space<hbm>>
      tpu.enqueue_dma source(%dma_start3A_51 : memref<9x2048xf32, #tpu.memory_space<hbm>>) target(%dma_start3A_47 : memref<9x2048xf32, #tpu.memory_space<vmem>>) target_semaphore(%arg10 : memref<!tpu.dma_semaphore, #tpu.memory_space<semaphore_mem>>)
      %dma_wait3A = arith.constant 0 : i32
      %dma_wait3A_52 = arith.constant 0 : i32
      %dma_wait3A_53 = tpu.memref_slice %arg8[%dma_wait3A, %dma_wait3A_52] : memref<9x2066xf32, #tpu.memory_space<vmem>> -> memref<9x2048xf32, #tpu.memory_space<vmem>>
      %dma_wait3A_54 = arith.constant 0 : i32
      %dma_wait3A_55 = arith.constant 0 : i32
      %dma_wait3A_56 = tpu.memref_slice %arg3[%dma_wait3A_54, %select_n3A, %dma_wait3A_55] : memref<9x8x2048xf32, #tpu.memory_space<hbm>> -> memref<9x1x2048xf32, #tpu.memory_space<hbm>>
      %dma_wait3A_57 = tpu.memref_squeeze %dma_wait3A_56 : memref<9x1x2048xf32, #tpu.memory_space<hbm>> -> memref<9x2048xf32, #tpu.memory_space<hbm>>
      %dma_wait3A_58 = arith.constant 0 : i32
      %dma_wait3A_59 = arith.constant 0 : i32
      %dma_wait3A_60 = tpu.memref_slice %arg8[%dma_wait3A_58, %dma_wait3A_59] : memref<9x2066xf32, #tpu.memory_space<vmem>> -> memref<9x2048xf32, #tpu.memory_space<vmem>>
      %dma_wait3A_61 = arith.constant 0 : i32
      %dma_wait3A_62 = arith.constant 0 : i32
      %dma_wait3A_63 = tpu.memref_slice %arg3[%dma_wait3A_61, %select_n3A, %dma_wait3A_62] : memref<9x8x2048xf32, #tpu.memory_space<hbm>> -> memref<9x1x2048xf32, #tpu.memory_space<hbm>>
      %dma_wait3A_64 = tpu.memref_squeeze %dma_wait3A_63 : memref<9x1x2048xf32, #tpu.memory_space<hbm>> -> memref<9x2048xf32, #tpu.memory_space<hbm>>
      tpu.wait_dma2 semaphore(%arg10 : memref<!tpu.dma_semaphore, #tpu.memory_space<semaphore_mem>>) src(%dma_wait3A_64 : memref<9x2048xf32, #tpu.memory_space<hbm>>) dst(%dma_wait3A_60 : memref<9x2048xf32, #tpu.memory_space<vmem>>)
      tpu.enqueue_dma source(%arg4 : memref<9x128xf32, #tpu.memory_space<hbm>>) target(%arg9 : memref<9x128xf32, #tpu.memory_space<vmem>>) target_semaphore(%arg10 : memref<!tpu.dma_semaphore, #tpu.memory_space<semaphore_mem>>)
      tpu.wait_dma2 semaphore(%arg10 : memref<!tpu.dma_semaphore, #tpu.memory_space<semaphore_mem>>) src(%arg4 : memref<9x128xf32, #tpu.memory_space<hbm>>) dst(%arg9 : memref<9x128xf32, #tpu.memory_space<vmem>>)
      %get3A = arith.constant 0 : i32
      %get3A_65 = arith.index_cast %get3A : i32 to index
      %get3A_66 = arith.constant 0 : index
      %get3A_67 = tpu.vector_load %arg9[%get3A_65, %get3A_66] {strides = array<i32>} : memref<9x128xf32, #tpu.memory_space<vmem>>, vector<1x16xf32>,
      %get3A_68 = vector.shape_cast %get3A_67 : vector<1x16xf32> to vector<16xf32>
      %swap3A = arith.constant 0 : i32
      %swap3A_69 = arith.index_cast %swap3A : i32 to index
      %swap3A_70 = arith.constant 2048 : index
      %swap3A_71 = tpu.vector_load %arg8[%swap3A_69, %swap3A_70] {strides = array<i32>} : memref<9x2066xf32, #tpu.memory_space<vmem>>, vector<1x16xf32>,
      %swap3A_72 = vector.shape_cast %swap3A_71 : vector<1x16xf32> to vector<16xf32>
      %swap3A_73 = vector.shape_cast %get3A_68 : vector<16xf32> to vector<1x16xf32>
      tpu.vector_store %arg8[%swap3A_69, %swap3A_70], %swap3A_73 {strides = array<i32>} : memref<9x2066xf32, #tpu.memory_space<vmem>>, vector<1x16xf32>,
      %swap3A_74 = arith.constant 0 : i32
      %swap3A_75 = arith.index_cast %swap3A_74 : i32 to index
      %swap3A_76 = arith.constant 2050 : index
      %swap3A_77 = tpu.vector_load %arg8[%swap3A_75, %swap3A_76] {strides = array<i32>} : memref<9x2066xf32, #tpu.memory_space<vmem>>, vector<1x16xf32>,
      %swap3A_78 = vector.shape_cast %swap3A_77 : vector<1x16xf32> to vector<16xf32>
      %swap3A_79 = vector.shape_cast %get3A_68 : vector<16xf32> to vector<1x16xf32>
      tpu.vector_store %arg8[%swap3A_75, %swap3A_76], %swap3A_79 {strides = array<i32>} : memref<9x2066xf32, #tpu.memory_space<vmem>>, vector<1x16xf32>,
      %get3A_80 = arith.constant 1 : i32
      %get3A_81 = arith.index_cast %get3A_80 : i32 to index
      %get3A_82 = arith.constant 0 : index
      %get3A_83 = tpu.vector_load %arg9[%get3A_81, %get3A_82] {strides = array<i32>} : memref<9x128xf32, #tpu.memory_space<vmem>>, vector<1x16xf32>,
      %get3A_84 = vector.shape_cast %get3A_83 : vector<1x16xf32> to vector<16xf32>
      %swap3A_85 = arith.constant 1 : i32
      %swap3A_86 = arith.index_cast %swap3A_85 : i32 to index
      %swap3A_87 = arith.constant 2048 : index
      %swap3A_88 = tpu.vector_load %arg8[%swap3A_86, %swap3A_87] {strides = array<i32>} : memref<9x2066xf32, #tpu.memory_space<vmem>>, vector<1x16xf32>,
      %swap3A_89 = vector.shape_cast %swap3A_88 : vector<1x16xf32> to vector<16xf32>
      %swap3A_90 = vector.shape_cast %get3A_84 : vector<16xf32> to vector<1x16xf32>
      tpu.vector_store %arg8[%swap3A_86, %swap3A_87], %swap3A_90 {strides = array<i32>} : memref<9x2066xf32, #tpu.memory_space<vmem>>, vector<1x16xf32>,
      %swap3A_91 = arith.constant 1 : i32
      %swap3A_92 = arith.index_cast %swap3A_91 : i32 to index
      %swap3A_93 = arith.constant 2050 : index
      %swap3A_94 = tpu.vector_load %arg8[%swap3A_92, %swap3A_93] {strides = array<i32>} : memref<9x2066xf32, #tpu.memory_space<vmem>>, vector<1x16xf32>,
      %swap3A_95 = vector.shape_cast %swap3A_94 : vector<1x16xf32> to vector<16xf32>
      %swap3A_96 = vector.shape_cast %get3A_84 : vector<16xf32> to vector<1x16xf32>
      tpu.vector_store %arg8[%swap3A_92, %swap3A_93], %swap3A_96 {strides = array<i32>} : memref<9x2066xf32, #tpu.memory_space<vmem>>, vector<1x16xf32>,
      %get3A_97 = arith.constant 2 : i32
      %get3A_98 = arith.index_cast %get3A_97 : i32 to index
      %get3A_99 = arith.constant 0 : index
      %get3A_100 = tpu.vector_load %arg9[%get3A_98, %get3A_99] {strides = array<i32>} : memref<9x128xf32, #tpu.memory_space<vmem>>, vector<1x16xf32>,
      %get3A_101 = vector.shape_cast %get3A_100 : vector<1x16xf32> to vector<16xf32>
      %swap3A_102 = arith.constant 2 : i32
      %swap3A_103 = arith.index_cast %swap3A_102 : i32 to index
      %swap3A_104 = arith.constant 2048 : index
      %swap3A_105 = tpu.vector_load %arg8[%swap3A_103, %swap3A_104] {strides = array<i32>} : memref<9x2066xf32, #tpu.memory_space<vmem>>, vector<1x16xf32>,
      %swap3A_106 = vector.shape_cast %swap3A_105 : vector<1x16xf32> to vector<16xf32>
      %swap3A_107 = vector.shape_cast %get3A_101 : vector<16xf32> to vector<1x16xf32>
      tpu.vector_store %arg8[%swap3A_103, %swap3A_104], %swap3A_107 {strides = array<i32>} : memref<9x2066xf32, #tpu.memory_space<vmem>>, vector<1x16xf32>,
      %swap3A_108 = arith.constant 2 : i32
      %swap3A_109 = arith.index_cast %swap3A_108 : i32 to index
      %swap3A_110 = arith.constant 2050 : index
      %swap3A_111 = tpu.vector_load %arg8[%swap3A_109, %swap3A_110] {strides = array<i32>} : memref<9x2066xf32, #tpu.memory_space<vmem>>, vector<1x16xf32>,
      %swap3A_112 = vector.shape_cast %swap3A_111 : vector<1x16xf32> to vector<16xf32>
      %swap3A_113 = vector.shape_cast %get3A_101 : vector<16xf32> to vector<1x16xf32>
      tpu.vector_store %arg8[%swap3A_109, %swap3A_110], %swap3A_113 {strides = array<i32>} : memref<9x2066xf32, #tpu.memory_space<vmem>>, vector<1x16xf32>,
      %get3A_114 = arith.constant 3 : i32
      %get3A_115 = arith.index_cast %get3A_114 : i32 to index
      %get3A_116 = arith.constant 0 : index
      %get3A_117 = tpu.vector_load %arg9[%get3A_115, %get3A_116] {strides = array<i32>} : memref<9x128xf32, #tpu.memory_space<vmem>>, vector<1x16xf32>,
      %get3A_118 = vector.shape_cast %get3A_117 : vector<1x16xf32> to vector<16xf32>
      %swap3A_119 = arith.constant 3 : i32
      %swap3A_120 = arith.index_cast %swap3A_119 : i32 to index
      %swap3A_121 = arith.constant 2048 : index
      %swap3A_122 = tpu.vector_load %arg8[%swap3A_120, %swap3A_121] {strides = array<i32>} : memref<9x2066xf32, #tpu.memory_space<vmem>>, vector<1x16xf32>,
      %swap3A_123 = vector.shape_cast %swap3A_122 : vector<1x16xf32> to vector<16xf32>
      %swap3A_124 = vector.shape_cast %get3A_118 : vector<16xf32> to vector<1x16xf32>
      tpu.vector_store %arg8[%swap3A_120, %swap3A_121], %swap3A_124 {strides = array<i32>} : memref<9x2066xf32, #tpu.memory_space<vmem>>, vector<1x16xf32>,
      %swap3A_125 = arith.constant 3 : i32
      %swap3A_126 = arith.index_cast %swap3A_125 : i32 to index
      %swap3A_127 = arith.constant 2050 : index
      %swap3A_128 = tpu.vector_load %arg8[%swap3A_126, %swap3A_127] {strides = array<i32>} : memref<9x2066xf32, #tpu.memory_space<vmem>>, vector<1x16xf32>,
      %swap3A_129 = vector.shape_cast %swap3A_128 : vector<1x16xf32> to vector<16xf32>
      %swap3A_130 = vector.shape_cast %get3A_118 : vector<16xf32> to vector<1x16xf32>
      tpu.vector_store %arg8[%swap3A_126, %swap3A_127], %swap3A_130 {strides = array<i32>} : memref<9x2066xf32, #tpu.memory_space<vmem>>, vector<1x16xf32>,
      %get3A_131 = arith.constant 4 : i32
      %get3A_132 = arith.index_cast %get3A_131 : i32 to index
      %get3A_133 = arith.constant 0 : index
      %get3A_134 = tpu.vector_load %arg9[%get3A_132, %get3A_133] {strides = array<i32>} : memref<9x128xf32, #tpu.memory_space<vmem>>, vector<1x16xf32>,
      %get3A_135 = vector.shape_cast %get3A_134 : vector<1x16xf32> to vector<16xf32>
      %swap3A_136 = arith.constant 4 : i32
      %swap3A_137 = arith.index_cast %swap3A_136 : i32 to index
      %swap3A_138 = arith.constant 2048 : index
      %swap3A_139 = tpu.vector_load %arg8[%swap3A_137, %swap3A_138] {strides = array<i32>} : memref<9x2066xf32, #tpu.memory_space<vmem>>, vector<1x16xf32>,
      %swap3A_140 = vector.shape_cast %swap3A_139 : vector<1x16xf32> to vector<16xf32>
      %swap3A_141 = vector.shape_cast %get3A_135 : vector<16xf32> to vector<1x16xf32>
      tpu.vector_store %arg8[%swap3A_137, %swap3A_138], %swap3A_141 {strides = array<i32>} : memref<9x2066xf32, #tpu.memory_space<vmem>>, vector<1x16xf32>,
      %swap3A_142 = arith.constant 4 : i32
      %swap3A_143 = arith.index_cast %swap3A_142 : i32 to index
      %swap3A_144 = arith.constant 2050 : index
      %swap3A_145 = tpu.vector_load %arg8[%swap3A_143, %swap3A_144] {strides = array<i32>} : memref<9x2066xf32, #tpu.memory_space<vmem>>, vector<1x16xf32>,
      %swap3A_146 = vector.shape_cast %swap3A_145 : vector<1x16xf32> to vector<16xf32>
      %swap3A_147 = vector.shape_cast %get3A_135 : vector<16xf32> to vector<1x16xf32>
      tpu.vector_store %arg8[%swap3A_143, %swap3A_144], %swap3A_147 {strides = array<i32>} : memref<9x2066xf32, #tpu.memory_space<vmem>>, vector<1x16xf32>,
      %get3A_148 = arith.constant 5 : i32
      %get3A_149 = arith.index_cast %get3A_148 : i32 to index
      %get3A_150 = arith.constant 0 : index
      %get3A_151 = tpu.vector_load %arg9[%get3A_149, %get3A_150] {strides = array<i32>} : memref<9x128xf32, #tpu.memory_space<vmem>>, vector<1x16xf32>,
      %get3A_152 = vector.shape_cast %get3A_151 : vector<1x16xf32> to vector<16xf32>
      %swap3A_153 = arith.constant 5 : i32
      %swap3A_154 = arith.index_cast %swap3A_153 : i32 to index
      %swap3A_155 = arith.constant 2048 : index
      %swap3A_156 = tpu.vector_load %arg8[%swap3A_154, %swap3A_155] {strides = array<i32>} : memref<9x2066xf32, #tpu.memory_space<vmem>>, vector<1x16xf32>,
      %swap3A_157 = vector.shape_cast %swap3A_156 : vector<1x16xf32> to vector<16xf32>
      %swap3A_158 = vector.shape_cast %get3A_152 : vector<16xf32> to vector<1x16xf32>
      tpu.vector_store %arg8[%swap3A_154, %swap3A_155], %swap3A_158 {strides = array<i32>} : memref<9x2066xf32, #tpu.memory_space<vmem>>, vector<1x16xf32>,
      %swap3A_159 = arith.constant 5 : i32
      %swap3A_160 = arith.index_cast %swap3A_159 : i32 to index
      %swap3A_161 = arith.constant 2050 : index
      %swap3A_162 = tpu.vector_load %arg8[%swap3A_160, %swap3A_161] {strides = array<i32>} : memref<9x2066xf32, #tpu.memory_space<vmem>>, vector<1x16xf32>,
      %swap3A_163 = vector.shape_cast %swap3A_162 : vector<1x16xf32> to vector<16xf32>
      %swap3A_164 = vector.shape_cast %get3A_152 : vector<16xf32> to vector<1x16xf32>
      tpu.vector_store %arg8[%swap3A_160, %swap3A_161], %swap3A_164 {strides = array<i32>} : memref<9x2066xf32, #tpu.memory_space<vmem>>, vector<1x16xf32>,
      %get3A_165 = arith.constant 6 : i32
      %get3A_166 = arith.index_cast %get3A_165 : i32 to index
      %get3A_167 = arith.constant 0 : index
      %get3A_168 = tpu.vector_load %arg9[%get3A_166, %get3A_167] {strides = array<i32>} : memref<9x128xf32, #tpu.memory_space<vmem>>, vector<1x16xf32>,
      %get3A_169 = vector.shape_cast %get3A_168 : vector<1x16xf32> to vector<16xf32>
      %swap3A_170 = arith.constant 6 : i32
      %swap3A_171 = arith.index_cast %swap3A_170 : i32 to index
      %swap3A_172 = arith.constant 2048 : index
      %swap3A_173 = tpu.vector_load %arg8[%swap3A_171, %swap3A_172] {strides = array<i32>} : memref<9x2066xf32, #tpu.memory_space<vmem>>, vector<1x16xf32>,
      %swap3A_174 = vector.shape_cast %swap3A_173 : vector<1x16xf32> to vector<16xf32>
      %swap3A_175 = vector.shape_cast %get3A_169 : vector<16xf32> to vector<1x16xf32>
      tpu.vector_store %arg8[%swap3A_171, %swap3A_172], %swap3A_175 {strides = array<i32>} : memref<9x2066xf32, #tpu.memory_space<vmem>>, vector<1x16xf32>,
      %swap3A_176 = arith.constant 6 : i32
      %swap3A_177 = arith.index_cast %swap3A_176 : i32 to index
      %swap3A_178 = arith.constant 2050 : index
      %swap3A_179 = tpu.vector_load %arg8[%swap3A_177, %swap3A_178] {strides = array<i32>} : memref<9x2066xf32, #tpu.memory_space<vmem>>, vector<1x16xf32>,
      %swap3A_180 = vector.shape_cast %swap3A_179 : vector<1x16xf32> to vector<16xf32>
      %swap3A_181 = vector.shape_cast %get3A_169 : vector<16xf32> to vector<1x16xf32>
      tpu.vector_store %arg8[%swap3A_177, %swap3A_178], %swap3A_181 {strides = array<i32>} : memref<9x2066xf32, #tpu.memory_space<vmem>>, vector<1x16xf32>,
      %get3A_182 = arith.constant 7 : i32
      %get3A_183 = arith.index_cast %get3A_182 : i32 to index
      %get3A_184 = arith.constant 0 : index
      %get3A_185 = tpu.vector_load %arg9[%get3A_183, %get3A_184] {strides = array<i32>} : memref<9x128xf32, #tpu.memory_space<vmem>>, vector<1x16xf32>,
      %get3A_186 = vector.shape_cast %get3A_185 : vector<1x16xf32> to vector<16xf32>
      %swap3A_187 = arith.constant 7 : i32
      %swap3A_188 = arith.index_cast %swap3A_187 : i32 to index
      %swap3A_189 = arith.constant 2048 : index
      %swap3A_190 = tpu.vector_load %arg8[%swap3A_188, %swap3A_189] {strides = array<i32>} : memref<9x2066xf32, #tpu.memory_space<vmem>>, vector<1x16xf32>,
      %swap3A_191 = vector.shape_cast %swap3A_190 : vector<1x16xf32> to vector<16xf32>
      %swap3A_192 = vector.shape_cast %get3A_186 : vector<16xf32> to vector<1x16xf32>
      tpu.vector_store %arg8[%swap3A_188, %swap3A_189], %swap3A_192 {strides = array<i32>} : memref<9x2066xf32, #tpu.memory_space<vmem>>, vector<1x16xf32>,
      %swap3A_193 = arith.constant 7 : i32
      %swap3A_194 = arith.index_cast %swap3A_193 : i32 to index
      %swap3A_195 = arith.constant 2050 : index
      %swap3A_196 = tpu.vector_load %arg8[%swap3A_194, %swap3A_195] {strides = array<i32>} : memref<9x2066xf32, #tpu.memory_space<vmem>>, vector<1x16xf32>,
      %swap3A_197 = vector.shape_cast %swap3A_196 : vector<1x16xf32> to vector<16xf32>
      %swap3A_198 = vector.shape_cast %get3A_186 : vector<16xf32> to vector<1x16xf32>
      tpu.vector_store %arg8[%swap3A_194, %swap3A_195], %swap3A_198 {strides = array<i32>} : memref<9x2066xf32, #tpu.memory_space<vmem>>, vector<1x16xf32>,
      %get3A_199 = arith.constant 8 : i32
      %get3A_200 = arith.index_cast %get3A_199 : i32 to index
      %get3A_201 = arith.constant 0 : index
      %get3A_202 = tpu.vector_load %arg9[%get3A_200, %get3A_201] {strides = array<i32>} : memref<9x128xf32, #tpu.memory_space<vmem>>, vector<1x16xf32>,
      %get3A_203 = vector.shape_cast %get3A_202 : vector<1x16xf32> to vector<16xf32>
      %swap3A_204 = arith.constant 8 : i32
      %swap3A_205 = arith.index_cast %swap3A_204 : i32 to index
      %swap3A_206 = arith.constant 2048 : index
      %swap3A_207 = tpu.vector_load %arg8[%swap3A_205, %swap3A_206] {strides = array<i32>} : memref<9x2066xf32, #tpu.memory_space<vmem>>, vector<1x16xf32>,
      %swap3A_208 = vector.shape_cast %swap3A_207 : vector<1x16xf32> to vector<16xf32>
      %swap3A_209 = vector.shape_cast %get3A_203 : vector<16xf32> to vector<1x16xf32>
      tpu.vector_store %arg8[%swap3A_205, %swap3A_206], %swap3A_209 {strides = array<i32>} : memref<9x2066xf32, #tpu.memory_space<vmem>>, vector<1x16xf32>,
      %swap3A_210 = arith.constant 8 : i32
      %swap3A_211 = arith.index_cast %swap3A_210 : i32 to index
      %swap3A_212 = arith.constant 2050 : index
      %swap3A_213 = tpu.vector_load %arg8[%swap3A_211, %swap3A_212] {strides = array<i32>} : memref<9x2066xf32, #tpu.memory_space<vmem>>, vector<1x16xf32>,
      %swap3A_214 = vector.shape_cast %swap3A_213 : vector<1x16xf32> to vector<16xf32>
      %swap3A_215 = vector.shape_cast %get3A_203 : vector<16xf32> to vector<1x16xf32>
      tpu.vector_store %arg8[%swap3A_211, %swap3A_212], %swap3A_215 {strides = array<i32>} : memref<9x2066xf32, #tpu.memory_space<vmem>>, vector<1x16xf32>,
      %dma_start3A_216 = arith.constant 0 : i32
      %dma_start3A_217 = arith.constant 0 : i32
      %dma_start3A_218 = arith.constant 0 : i32
      %dma_start3A_219 = tpu.memref_slice %arg5[%select_n3A, %dma_start3A_217, %dma_start3A_216, %dma_start3A_218] : memref<8x9x1x2066xf32, #tpu.memory_space<hbm>> -> memref<1x9x1x2066xf32, #tpu.memory_space<hbm>>
      %dma_start3A_220 = tpu.memref_squeeze %dma_start3A_219 : memref<1x9x1x2066xf32, #tpu.memory_space<hbm>> -> memref<9x2066xf32, #tpu.memory_space<hbm>>
      %dma_start3A_221 = arith.constant 0 : i32
      %dma_start3A_222 = arith.constant 0 : i32
      %dma_start3A_223 = tpu.memref_slice %arg5[%select_n3A, %dma_start3A_221, %dma_start3A_216, %dma_start3A_222] : memref<8x9x1x2066xf32, #tpu.memory_space<hbm>> -> memref<1x9x1x2066xf32, #tpu.memory_space<hbm>>
      %dma_start3A_224 = tpu.memref_squeeze %dma_start3A_223 : memref<1x9x1x2066xf32, #tpu.memory_space<hbm>> -> memref<9x2066xf32, #tpu.memory_space<hbm>>
      tpu.enqueue_dma source(%arg8 : memref<9x2066xf32, #tpu.memory_space<vmem>>) target(%dma_start3A_224 : memref<9x2066xf32, #tpu.memory_space<hbm>>) target_semaphore(%arg10 : memref<!tpu.dma_semaphore, #tpu.memory_space<semaphore_mem>>)
      %dma_wait3A_225 = arith.constant 0 : i32
      %dma_wait3A_226 = arith.constant 0 : i32
      %dma_wait3A_227 = arith.constant 0 : i32
      %dma_wait3A_228 = tpu.memref_slice %arg5[%select_n3A, %dma_wait3A_226, %dma_wait3A_225, %dma_wait3A_227] : memref<8x9x1x2066xf32, #tpu.memory_space<hbm>> -> memref<1x9x1x2066xf32, #tpu.memory_space<hbm>>
      %dma_wait3A_229 = tpu.memref_squeeze %dma_wait3A_228 : memref<1x9x1x2066xf32, #tpu.memory_space<hbm>> -> memref<9x2066xf32, #tpu.memory_space<hbm>>
      %dma_wait3A_230 = arith.constant 0 : i32
      %dma_wait3A_231 = arith.constant 0 : i32
      %dma_wait3A_232 = tpu.memref_slice %arg5[%select_n3A, %dma_wait3A_230, %dma_wait3A_225, %dma_wait3A_231] : memref<8x9x1x2066xf32, #tpu.memory_space<hbm>> -> memref<1x9x1x2066xf32, #tpu.memory_space<hbm>>
      %dma_wait3A_233 = tpu.memref_squeeze %dma_wait3A_232 : memref<1x9x1x2066xf32, #tpu.memory_space<hbm>> -> memref<9x2066xf32, #tpu.memory_space<hbm>>
      tpu.wait_dma2 semaphore(%arg10 : memref<!tpu.dma_semaphore, #tpu.memory_space<semaphore_mem>>) src(%arg8 : memref<9x2066xf32, #tpu.memory_space<vmem>>) dst(%dma_wait3A_233 : memref<9x2066xf32, #tpu.memory_space<hbm>>)
    } else {
    }
    %eq3A_34 = arith.constant 1 : i32
    %eq3A_35 = arith.cmpi eq, %select_n3A_30, %eq3A_34 : i32
    %convert_element_type3A_36 = arith.extui %eq3A_35 : i1 to i32
    %cond3A_37 = arith.constant 0 : i32
    %cond3A_38 = arith.cmpi ne, %convert_element_type3A_36, %cond3A_37 : i32
    scf.if %cond3A_38 {
      %dma_start3A = arith.constant 0 : i32
      %dma_start3A_39 = arith.constant 0 : i32
      %dma_start3A_40 = arith.constant 0 : i32
      %dma_start3A_41 = tpu.memref_slice %arg2[%select_n3A, %dma_start3A_39, %dma_start3A, %dma_start3A_40] : memref<8x18x1x256xf32, #tpu.memory_space<hbm>> -> memref<1x18x1x256xf32, #tpu.memory_space<hbm>>
      %dma_start3A_42 = tpu.memref_squeeze %dma_start3A_41 : memref<1x18x1x256xf32, #tpu.memory_space<hbm>> -> memref<18x256xf32, #tpu.memory_space<hbm>>
      %dma_start3A_43 = arith.constant 0 : i32
      %dma_start3A_44 = arith.constant 0 : i32
      %dma_start3A_45 = tpu.memref_slice %arg2[%select_n3A, %dma_start3A_43, %dma_start3A, %dma_start3A_44] : memref<8x18x1x256xf32, #tpu.memory_space<hbm>> -> memref<1x18x1x256xf32, #tpu.memory_space<hbm>>
      %dma_start3A_46 = tpu.memref_squeeze %dma_start3A_45 : memref<1x18x1x256xf32, #tpu.memory_space<hbm>> -> memref<18x256xf32, #tpu.memory_space<hbm>>
      tpu.enqueue_dma source(%dma_start3A_46 : memref<18x256xf32, #tpu.memory_space<hbm>>) target(%arg7 : memref<18x256xf32, #tpu.memory_space<vmem>>) target_semaphore(%arg10 : memref<!tpu.dma_semaphore, #tpu.memory_space<semaphore_mem>>)
      %dma_wait3A = arith.constant 0 : i32
      %dma_wait3A_47 = arith.constant 0 : i32
      %dma_wait3A_48 = arith.constant 0 : i32
      %dma_wait3A_49 = tpu.memref_slice %arg2[%select_n3A, %dma_wait3A_47, %dma_wait3A, %dma_wait3A_48] : memref<8x18x1x256xf32, #tpu.memory_space<hbm>> -> memref<1x18x1x256xf32, #tpu.memory_space<hbm>>
      %dma_wait3A_50 = tpu.memref_squeeze %dma_wait3A_49 : memref<1x18x1x256xf32, #tpu.memory_space<hbm>> -> memref<18x256xf32, #tpu.memory_space<hbm>>
      %dma_wait3A_51 = arith.constant 0 : i32
      %dma_wait3A_52 = arith.constant 0 : i32
      %dma_wait3A_53 = tpu.memref_slice %arg2[%select_n3A, %dma_wait3A_51, %dma_wait3A, %dma_wait3A_52] : memref<8x18x1x256xf32, #tpu.memory_space<hbm>> -> memref<1x18x1x256xf32, #tpu.memory_space<hbm>>
      %dma_wait3A_54 = tpu.memref_squeeze %dma_wait3A_53 : memref<1x18x1x256xf32, #tpu.memory_space<hbm>> -> memref<18x256xf32, #tpu.memory_space<hbm>>
      tpu.wait_dma2 semaphore(%arg10 : memref<!tpu.dma_semaphore, #tpu.memory_space<semaphore_mem>>) src(%dma_wait3A_54 : memref<18x256xf32, #tpu.memory_space<hbm>>) dst(%arg7 : memref<18x256xf32, #tpu.memory_space<vmem>>)
      %dma_start3A_55 = arith.constant 0 : i32
      %dma_start3A_56 = arith.constant 0 : i32
      %dma_start3A_57 = tpu.memref_slice %arg6[%dma_start3A_55, %select_n3A, %dma_start3A_56] : memref<18x8x256xf32, #tpu.memory_space<hbm>> -> memref<18x1x256xf32, #tpu.memory_space<hbm>>
      %dma_start3A_58 = tpu.memref_squeeze %dma_start3A_57 : memref<18x1x256xf32, #tpu.memory_space<hbm>> -> memref<18x256xf32, #tpu.memory_space<hbm>>
      %dma_start3A_59 = arith.constant 0 : i32
      %dma_start3A_60 = arith.constant 0 : i32
      %dma_start3A_61 = tpu.memref_slice %arg6[%dma_start3A_59, %select_n3A, %dma_start3A_60] : memref<18x8x256xf32, #tpu.memory_space<hbm>> -> memref<18x1x256xf32, #tpu.memory_space<hbm>>
      %dma_start3A_62 = tpu.memref_squeeze %dma_start3A_61 : memref<18x1x256xf32, #tpu.memory_space<hbm>> -> memref<18x256xf32, #tpu.memory_space<hbm>>
      tpu.enqueue_dma source(%arg7 : memref<18x256xf32, #tpu.memory_space<vmem>>) target(%dma_start3A_62 : memref<18x256xf32, #tpu.memory_space<hbm>>) target_semaphore(%arg10 : memref<!tpu.dma_semaphore, #tpu.memory_space<semaphore_mem>>)
      %dma_wait3A_63 = arith.constant 0 : i32
      %dma_wait3A_64 = arith.constant 0 : i32
      %dma_wait3A_65 = tpu.memref_slice %arg6[%dma_wait3A_63, %select_n3A, %dma_wait3A_64] : memref<18x8x256xf32, #tpu.memory_space<hbm>> -> memref<18x1x256xf32, #tpu.memory_space<hbm>>
      %dma_wait3A_66 = tpu.memref_squeeze %dma_wait3A_65 : memref<18x1x256xf32, #tpu.memory_space<hbm>> -> memref<18x256xf32, #tpu.memory_space<hbm>>
      %dma_wait3A_67 = arith.constant 0 : i32
      %dma_wait3A_68 = arith.constant 0 : i32
      %dma_wait3A_69 = tpu.memref_slice %arg6[%dma_wait3A_67, %select_n3A, %dma_wait3A_68] : memref<18x8x256xf32, #tpu.memory_space<hbm>> -> memref<18x1x256xf32, #tpu.memory_space<hbm>>
      %dma_wait3A_70 = tpu.memref_squeeze %dma_wait3A_69 : memref<18x1x256xf32, #tpu.memory_space<hbm>> -> memref<18x256xf32, #tpu.memory_space<hbm>>
      tpu.wait_dma2 semaphore(%arg10 : memref<!tpu.dma_semaphore, #tpu.memory_space<semaphore_mem>>) src(%arg7 : memref<18x256xf32, #tpu.memory_space<vmem>>) dst(%dma_wait3A_70 : memref<18x256xf32, #tpu.memory_space<hbm>>)
    } else {
    }
    return
  }
}

module attributes {stable_mosaic.version = 14 : i64} {
  func.func @body(%arg0: i32, %arg1: memref<1x2048x256xf32, #tpu.memory_space<vmem>>, %arg2: memref<1x18x1x256xf32, #tpu.memory_space<vmem>>, %arg3: memref<8x2066x1x256xf32, #tpu.memory_space<any>>, %arg4: memref<!tpu.dma_semaphore, #tpu.memory_space<semaphore_mem>>, %arg5: memref<!tpu.dma_semaphore, #tpu.memory_space<semaphore_mem>>, %arg6: memref<!tpu.dma_semaphore, #tpu.memory_space<semaphore_mem>>) attributes {dimension_semantics = [#tpu.dimension_semantics<arbitrary>], iteration_bounds = array<i64: 8>, scalar_prefetch = 0 : i64, scratch_operands = 3 : i64, tpu.core_type = #tpu.core_type<tc>, window_params = [{transform_indices = @transform_0, window_bounds = array<i64: 1, 2048, 256>}, {transform_indices = @transform_1, window_bounds = array<i64: 1, 18, 1, 256>}, {}]} {
    %dma_start3A = arith.constant 0 : i32
    %dma_start3A_0 = arith.constant 0 : i32
    %dma_start3A_1 = arith.constant 0 : i32
    %dma_start3A_2 = arith.constant 2048 : i32
    %dma_start3A_3 = arith.constant 0 : i32
    %dma_start3A_4 = tpu.memref_slice %arg3[%arg0, %dma_start3A_2, %dma_start3A_1, %dma_start3A_3] : memref<8x2066x1x256xf32, #tpu.memory_space<any>> -> memref<1x18x1x256xf32, #tpu.memory_space<any>>
    %dma_start3A_5 = tpu.memref_squeeze %dma_start3A_4 : memref<1x18x1x256xf32, #tpu.memory_space<any>> -> memref<18x256xf32, #tpu.memory_space<any>>
    %dma_start3A_6 = arith.constant 0 : i32
    %dma_start3A_7 = arith.constant 0 : i32
    %dma_start3A_8 = tpu.memref_slice %arg2[%dma_start3A, %dma_start3A_6, %dma_start3A_0, %dma_start3A_7] : memref<1x18x1x256xf32, #tpu.memory_space<vmem>> -> memref<1x18x1x256xf32, #tpu.memory_space<vmem>>
    %dma_start3A_9 = tpu.memref_squeeze %dma_start3A_8 : memref<1x18x1x256xf32, #tpu.memory_space<vmem>> -> memref<18x256xf32, #tpu.memory_space<vmem>>
    tpu.enqueue_dma source(%dma_start3A_9 : memref<18x256xf32, #tpu.memory_space<vmem>>) target(%dma_start3A_5 : memref<18x256xf32, #tpu.memory_space<any>>) target_semaphore(%arg6 : memref<!tpu.dma_semaphore, #tpu.memory_space<semaphore_mem>>)
    %dma_start3A_10 = arith.constant 0 : i32
    %dma_start3A_11 = arith.constant 0 : i32
    %dma_start3A_12 = arith.constant 0 : i32
    %dma_start3A_13 = arith.constant 0 : i32
    %dma_start3A_14 = tpu.memref_slice %arg3[%arg0, %dma_start3A_12, %dma_start3A_11, %dma_start3A_13] : memref<8x2066x1x256xf32, #tpu.memory_space<any>> -> memref<1x1024x1x256xf32, #tpu.memory_space<any>>
    %dma_start3A_15 = tpu.memref_squeeze %dma_start3A_14 : memref<1x1024x1x256xf32, #tpu.memory_space<any>> -> memref<1024x256xf32, #tpu.memory_space<any>>
    %dma_start3A_16 = arith.constant 0 : i32
    %dma_start3A_17 = arith.constant 0 : i32
    %dma_start3A_18 = tpu.memref_slice %arg1[%dma_start3A_10, %dma_start3A_16, %dma_start3A_17] : memref<1x2048x256xf32, #tpu.memory_space<vmem>> -> memref<1x1024x256xf32, #tpu.memory_space<vmem>>
    %dma_start3A_19 = tpu.memref_squeeze %dma_start3A_18 : memref<1x1024x256xf32, #tpu.memory_space<vmem>> -> memref<1024x256xf32, #tpu.memory_space<vmem>>
    tpu.enqueue_dma source(%dma_start3A_19 : memref<1024x256xf32, #tpu.memory_space<vmem>>) target(%dma_start3A_15 : memref<1024x256xf32, #tpu.memory_space<any>>) target_semaphore(%arg4 : memref<!tpu.dma_semaphore, #tpu.memory_space<semaphore_mem>>)
    %dma_start3A_20 = arith.constant 0 : i32
    %dma_start3A_21 = arith.constant 0 : i32
    %dma_start3A_22 = arith.constant 1024 : i32
    %dma_start3A_23 = arith.constant 0 : i32
    %dma_start3A_24 = tpu.memref_slice %arg3[%arg0, %dma_start3A_22, %dma_start3A_21, %dma_start3A_23] : memref<8x2066x1x256xf32, #tpu.memory_space<any>> -> memref<1x1024x1x256xf32, #tpu.memory_space<any>>
    %dma_start3A_25 = tpu.memref_squeeze %dma_start3A_24 : memref<1x1024x1x256xf32, #tpu.memory_space<any>> -> memref<1024x256xf32, #tpu.memory_space<any>>
    %dma_start3A_26 = arith.constant 1024 : i32
    %dma_start3A_27 = arith.constant 0 : i32
    %dma_start3A_28 = tpu.memref_slice %arg1[%dma_start3A_20, %dma_start3A_26, %dma_start3A_27] : memref<1x2048x256xf32, #tpu.memory_space<vmem>> -> memref<1x1024x256xf32, #tpu.memory_space<vmem>>
    %dma_start3A_29 = tpu.memref_squeeze %dma_start3A_28 : memref<1x1024x256xf32, #tpu.memory_space<vmem>> -> memref<1024x256xf32, #tpu.memory_space<vmem>>
    tpu.enqueue_dma source(%dma_start3A_29 : memref<1024x256xf32, #tpu.memory_space<vmem>>) target(%dma_start3A_25 : memref<1024x256xf32, #tpu.memory_space<any>>) target_semaphore(%arg5 : memref<!tpu.dma_semaphore, #tpu.memory_space<semaphore_mem>>)
    %dma_wait3A = arith.constant 0 : i32
    %dma_wait3A_30 = arith.constant 0 : i32
    %dma_wait3A_31 = arith.constant 0 : i32
    %dma_wait3A_32 = arith.constant 0 : i32
    %dma_wait3A_33 = tpu.memref_slice %arg3[%arg0, %dma_wait3A_31, %dma_wait3A_30, %dma_wait3A_32] : memref<8x2066x1x256xf32, #tpu.memory_space<any>> -> memref<1x1024x1x256xf32, #tpu.memory_space<any>>
    %dma_wait3A_34 = tpu.memref_squeeze %dma_wait3A_33 : memref<1x1024x1x256xf32, #tpu.memory_space<any>> -> memref<1024x256xf32, #tpu.memory_space<any>>
    %dma_wait3A_35 = arith.constant 0 : i32
    %dma_wait3A_36 = arith.constant 0 : i32
    %dma_wait3A_37 = tpu.memref_slice %arg1[%dma_wait3A, %dma_wait3A_35, %dma_wait3A_36] : memref<1x2048x256xf32, #tpu.memory_space<vmem>> -> memref<1x1024x256xf32, #tpu.memory_space<vmem>>
    %dma_wait3A_38 = tpu.memref_squeeze %dma_wait3A_37 : memref<1x1024x256xf32, #tpu.memory_space<vmem>> -> memref<1024x256xf32, #tpu.memory_space<vmem>>
    tpu.wait_dma2 semaphore(%arg4 : memref<!tpu.dma_semaphore, #tpu.memory_space<semaphore_mem>>) src(%dma_wait3A_38 : memref<1024x256xf32, #tpu.memory_space<vmem>>) dst(%dma_wait3A_34 : memref<1024x256xf32, #tpu.memory_space<any>>)
    %dma_wait3A_39 = arith.constant 0 : i32
    %dma_wait3A_40 = arith.constant 0 : i32
    %dma_wait3A_41 = arith.constant 1024 : i32
    %dma_wait3A_42 = arith.constant 0 : i32
    %dma_wait3A_43 = tpu.memref_slice %arg3[%arg0, %dma_wait3A_41, %dma_wait3A_40, %dma_wait3A_42] : memref<8x2066x1x256xf32, #tpu.memory_space<any>> -> memref<1x1024x1x256xf32, #tpu.memory_space<any>>
    %dma_wait3A_44 = tpu.memref_squeeze %dma_wait3A_43 : memref<1x1024x1x256xf32, #tpu.memory_space<any>> -> memref<1024x256xf32, #tpu.memory_space<any>>
    %dma_wait3A_45 = arith.constant 1024 : i32
    %dma_wait3A_46 = arith.constant 0 : i32
    %dma_wait3A_47 = tpu.memref_slice %arg1[%dma_wait3A_39, %dma_wait3A_45, %dma_wait3A_46] : memref<1x2048x256xf32, #tpu.memory_space<vmem>> -> memref<1x1024x256xf32, #tpu.memory_space<vmem>>
    %dma_wait3A_48 = tpu.memref_squeeze %dma_wait3A_47 : memref<1x1024x256xf32, #tpu.memory_space<vmem>> -> memref<1024x256xf32, #tpu.memory_space<vmem>>
    tpu.wait_dma2 semaphore(%arg5 : memref<!tpu.dma_semaphore, #tpu.memory_space<semaphore_mem>>) src(%dma_wait3A_48 : memref<1024x256xf32, #tpu.memory_space<vmem>>) dst(%dma_wait3A_44 : memref<1024x256xf32, #tpu.memory_space<any>>)
    %dma_wait3A_49 = arith.constant 0 : i32
    %dma_wait3A_50 = arith.constant 0 : i32
    %dma_wait3A_51 = arith.constant 0 : i32
    %dma_wait3A_52 = arith.constant 2048 : i32
    %dma_wait3A_53 = arith.constant 0 : i32
    %dma_wait3A_54 = tpu.memref_slice %arg3[%arg0, %dma_wait3A_52, %dma_wait3A_51, %dma_wait3A_53] : memref<8x2066x1x256xf32, #tpu.memory_space<any>> -> memref<1x18x1x256xf32, #tpu.memory_space<any>>
    %dma_wait3A_55 = tpu.memref_squeeze %dma_wait3A_54 : memref<1x18x1x256xf32, #tpu.memory_space<any>> -> memref<18x256xf32, #tpu.memory_space<any>>
    %dma_wait3A_56 = arith.constant 0 : i32
    %dma_wait3A_57 = arith.constant 0 : i32
    %dma_wait3A_58 = tpu.memref_slice %arg2[%dma_wait3A_49, %dma_wait3A_56, %dma_wait3A_50, %dma_wait3A_57] : memref<1x18x1x256xf32, #tpu.memory_space<vmem>> -> memref<1x18x1x256xf32, #tpu.memory_space<vmem>>
    %dma_wait3A_59 = tpu.memref_squeeze %dma_wait3A_58 : memref<1x18x1x256xf32, #tpu.memory_space<vmem>> -> memref<18x256xf32, #tpu.memory_space<vmem>>
    tpu.wait_dma2 semaphore(%arg6 : memref<!tpu.dma_semaphore, #tpu.memory_space<semaphore_mem>>) src(%dma_wait3A_59 : memref<18x256xf32, #tpu.memory_space<vmem>>) dst(%dma_wait3A_55 : memref<18x256xf32, #tpu.memory_space<any>>)
    return
  }
  func.func @transform_0(%arg0: i32) -> (i32, i32, i32) {
    %c0_i32 = arith.constant 0 : i32
    %c0_i32_0 = arith.constant 0 : i32
    %c0_i32_1 = arith.constant 0 : i32
    return %arg0, %c0_i32, %c0_i32_0 : i32, i32, i32
  }
  func.func @transform_1(%arg0: i32) -> (i32, i32, i32, i32) {
    %c0_i32 = arith.constant 0 : i32
    %c0_i32_0 = arith.constant 0 : i32
    %c0_i32_1 = arith.constant 0 : i32
    %c0_i32_2 = arith.constant 0 : i32
    return %arg0, %c0_i32, %c0_i32_0, %c0_i32_1 : i32, i32, i32, i32
  }
}

module attributes {stable_mosaic.version = 14 : i64} {
  func.func @body(%arg0: memref<1x9xf32, #tpu.memory_space<vmem>>, %arg1: memref<1x8x2066xi32, #tpu.memory_space<vmem>>, %arg2: memref<9x8x18xf32, #tpu.memory_space<vmem>>, %arg3: memref<9x128xf32, #tpu.memory_space<vmem>>) attributes {dimension_semantics = [], scalar_prefetch = 0 : i64, scratch_operands = 0 : i64, tpu.core_type = #tpu.core_type<tc>} {
    %get3A = arith.constant 0 : index
    %get3A_0 = arith.constant 0 : index
    %get3A_1 = vector.load %arg0[%get3A, %get3A_0] : memref<1x9xf32, #tpu.memory_space<vmem>>, vector<1x9xf32>
    %reshape3A = vector.shape_cast %get3A_1 : vector<1x9xf32> to vector<9x1xf32>
    %broadcast_in_dim3A = vector.shape_cast %reshape3A : vector<9x1xf32> to vector<9x1xf32>
    %broadcast_in_dim3A_2 = vector.broadcast %broadcast_in_dim3A : vector<9x1xf32> to vector<9x128xf32>
    %swap3A = arith.constant 0 : index
    %swap3A_3 = arith.constant 0 : index
    %swap3A_4 = vector.load %arg3[%swap3A, %swap3A_3] : memref<9x128xf32, #tpu.memory_space<vmem>>, vector<9x128xf32>
    tpu.vector_store %arg3[%swap3A, %swap3A_3], %broadcast_in_dim3A_2 {strides = array<i32>} : memref<9x128xf32, #tpu.memory_space<vmem>>, vector<9x128xf32>,
    %broadcast_in_dim3A_5 = vector.shape_cast %reshape3A : vector<9x1xf32> to vector<9x1x1xf32>
    %broadcast_in_dim3A_6 = vector.shape_cast %broadcast_in_dim3A_5 : vector<9x1x1xf32> to vector<9x1x1xf32>
    %broadcast_in_dim3A_7 = vector.broadcast %broadcast_in_dim3A_6 : vector<9x1x1xf32> to vector<9x8x18xf32>
    %swap3A_8 = arith.constant 0 : index
    %swap3A_9 = arith.constant 0 : index
    %swap3A_10 = arith.constant 0 : index
    %swap3A_11 = vector.load %arg2[%swap3A_8, %swap3A_9, %swap3A_10] : memref<9x8x18xf32, #tpu.memory_space<vmem>>, vector<9x8x18xf32>
    tpu.vector_store %arg2[%swap3A_8, %swap3A_9, %swap3A_10], %broadcast_in_dim3A_7 {strides = array<i32>} : memref<9x8x18xf32, #tpu.memory_space<vmem>>, vector<9x8x18xf32>,
    %broadcast_in_dim3A_12 = arith.constant false
    %broadcast_in_dim3A_13 = vector.broadcast %broadcast_in_dim3A_12 : i1 to vector<1x8x2066xi1>
    %swap3A_14 = arith.constant 0 : index
    %swap3A_15 = arith.constant 0 : index
    %swap3A_16 = arith.constant 0 : index
    %swap3A_17 = vector.load %arg1[%swap3A_14, %swap3A_15, %swap3A_16] : memref<1x8x2066xi32, #tpu.memory_space<vmem>>, vector<1x8x2066xi32>
    %swap3A_18 = arith.extui %broadcast_in_dim3A_13 : vector<1x8x2066xi1> to vector<1x8x2066xi32>
    %swap3A_19 = arith.constant dense<0> : vector<1x8x2066xi32>
    %swap3A_20 = arith.cmpi ne, %swap3A_17, %swap3A_19 : vector<1x8x2066xi32>
    tpu.vector_store %arg1[%swap3A_14, %swap3A_15, %swap3A_16], %swap3A_18 {strides = array<i32>} : memref<1x8x2066xi32, #tpu.memory_space<vmem>>, vector<1x8x2066xi32>,
    return
  }
}

</mosaic_0001>

<sc_bundles>
// kernel: kernel.5.cloned.1.call-start
scs
__scs_entry_jumppad:
0x0: {  	(pc) =	sbr.rel $0x88, $3  }
0x1: {  	(tag) =	ssettag $0x0;
	lr =	simm.s32 $0x1  }
0x2: {  	[smem:$0x3F9D] =	sst lr;
	_ =	strace $0xD0000000  }
0x3: {  	_ = 	snop  }
0x4: {  	_ = 	snop  }
0x5: {  	_ = 	snop  }
0x6: {  	_ = 	snop  }
0x7: {  	_ = 	snop  }
__scs_overlays_trampoline_lowered:
0x8: {  	[smem:$0x3FAC] =	sst s0  }
0x9: {  	[smem:$0x3FAD] =	sst s1  }
0xa: {  	[smem:$0x3FAE] =	sst s2  }
0xb: {  	[smem:$0x3FAF] =	sst s3  }
0xc: {  	[smem:$0x3FB0] =	sst s4  }
0xd: {  	[smem:$0x3FB1] =	sst s5  }
0xe: {  	[smem:$0x3FB2] =	sst s6  }
0xf: {  	[smem:$0x3FB3] =	sst s7  }
0x10: {  	[smem:$0x3FB4] =	sst s8  }
0x11: {  	[smem:$0x3FB5] =	sst s9;
	s0 =	simm.s32 @!p0 $0x0  }
0x12: {  	s1 =	sld [smem:$0x3F9B];
	s0 =	simm.s32 @p0 $0x1  }
0x13: {  	[smem:$0x3FB6] =	sst s0;
	s0 =	simm.s32 @!p1 $0x0  }
0x14: {  	s2 =	sld [smem:$0x3F9A];
	s0 =	simm.s32 @p1 $0x1  }
0x15: {  	[smem:$0x3FB7] =	sst s0;
	s0 =	simm.s32 @!p2 $0x0  }
0x16: {  	s3 =	sld [smem:$0x3FDB];
	s0 =	simm.s32 @p2 $0x1  }
0x17: {  	s4 =	simm.s32 $0x1BF5;
	[smem:$0x3FB9] =	sst s0  }
0x18: {  	s0 =	sld [smem:$0x3F9C];
	_ =	swait.ge [sflag:s4], $0x0  }
0x19: {  	s7 =	sld [smem:$0x3F9D]  }
0x1a: {  	s8 =	sadd.s32 $0xFFFFE003, lr  }
0x1b: {  	s9 =	sadd.s32 $0xFFFFFEF7, lr;
	s5 =	simm.s32 $0xFFFFFFFF;
	p2 =	slt.u32 s8, $0xFFFFF086  }
0x1c: {  	p1 =	slt.u32 s9, $0xF7A;
	s5 =	simm.s32 @!p2 $0x0  }
0x1d: {  	s5 =	simm.s32 @p1 $0x1;
	p0 =	seq.s32 s7, s2  }
0x1e: {  	s7 =	smul.u32 @!p0 $0xF7A, s2;
	p2 =	seq.s32 @!p0 s5, $0x0  }
0x1f: {  	s9 =	smul.u32 $0xF7A, s1;
	s8 =	simm.s32 @!p0 $0x1BF5;
	p2 =	por !p2, p0  }
0x20: {  	[sflag:s8] =	ssyncset.s32 @!p0 $0xFFFFF086;
	s6 =	sadd.s32 @!p0 s3, s7;
	s7 =	simm.s32 @!p0 $0x108  }
0x21: {  	s3 =	sadd.s32 s3, s9;
	s6 =	sadd.s32 @!p0 $0x88, s6;
	s7 =	simm.s32 @p2 $0x1082  }
0x22: {  	[simem:s7], [sflag:s8] =	dma.local @!p0 [hbm:s6], $0xF7A  }
0x23: {  	s9 =	sor.u32 $0xD0000000, s2;
	s6 =	simm.s32 $0x108;
	_ =	swait.ge @!p0 [sflag:s8], $0x0  }
0x24: {  	s3 =	sadd.s32 $0x88, s3;
	s6 =	simm.s32 @!p1 $0x1082;
	[sflag:s4] =	ssyncset.s32 $0xFFFFF086  }
0x25: {  	[simem:s6], [sflag:s4] =	dma.local [hbm:s3], $0xF7A  }
0x26: {  	[smem:$0x3F9D] =	sst s1;
	(tag) =	ssettag s2;
	_ =	strace s9  }
0x27: {  	s1 =	sld [smem:$0x3FAD]  }
0x28: {  	s2 =	sld [smem:$0x3FAE]  }
0x29: {  	s4 =	sld [smem:$0x3FB0]  }
0x2a: {  	p0 =	seq.s32 s5, $0x0;
	s5 =	sld [smem:$0x3FB1]  }
0x2b: {  	s6 =	sld [smem:$0x3FB2]  }
0x2c: {  	s7 =	sld [smem:$0x3FB3]  }
0x2d: {  	s3 =	simm.s32 $0x108;
	s8 =	sld [smem:$0x3FB4]  }
0x2e: {  	s3 =	simm.s32 @!p0 $0x1082;
	s9 =	sld [smem:$0x3FB5]  }
0x2f: {  	lr =	sadd.s32 s0, s3;
	s0 =	sld [smem:$0x3FAC]  }
0x30: {  	s3 =	sld [smem:$0x3FAF]  }
0x31: {  	[smem:$0x3FB8] =	sst s10  }
0x32: {  	s10 =	sld [smem:$0x3FB6];
	_ =	sdelay $0x3  }
0x33: {  	p0 =	seq.s32 s10, $0x1;
	s10 =	sld [smem:$0x3FB8];
	_ =	sdelay $0x3  }
0x34: {  	[smem:$0x3FB8] =	sst s10  }
0x35: {  	s10 =	sld [smem:$0x3FB7];
	_ =	sdelay $0x3  }
0x36: {  	p1 =	seq.s32 s10, $0x1;
	s10 =	sld [smem:$0x3FB8];
	_ =	sdelay $0x3  }
0x37: {  	[smem:$0x3FB8] =	sst s10  }
0x38: {  	s10 =	sld [smem:$0x3FB9]  }
0x39: {  	_ = 	snop;
	(pc) =	sbr.ind lr, $3  }
0x3a: {  	_ = 	snop  }
0x3b: {  	_ = 	snop  }
0x3c: {  	p2 =	seq.s32 s10, $0x1;
	s10 =	sld [smem:$0x3FB8]  }
0x3d: {  	_ =	shalt  }
0x3e: {  	_ =	shalt  }
0x3f: {  	_ =	shalt  }
0x40: {  	_ =	shalt  }
0x41: {  	_ =	shalt  }
0x42: {  	_ =	shalt  }
0x43: {  	_ =	shalt  }
0x44: {  	_ =	shalt  }
0x45: {  	_ =	shalt  }
0x46: {  	_ =	shalt  }
0x47: {  	_ =	shalt  }
0x48: {  	_ =	shalt  }
0x49: {  	_ =	shalt  }
0x4a: {  	_ =	shalt  }
0x4b: {  	_ =	shalt  }
0x4c: {  	_ =	shalt  }
0x4d: {  	_ =	shalt  }
0x4e: {  	_ =	shalt  }
0x4f: {  	_ =	shalt  }
0x50: {  	_ =	shalt  }
0x51: {  	_ =	shalt  }
0x52: {  	_ =	shalt  }
0x53: {  	_ =	shalt  }
0x54: {  	_ =	shalt  }
0x55: {  	_ =	shalt  }
0x56: {  	_ =	shalt  }
0x57: {  	_ =	shalt  }
0x58: {  	_ =	shalt  }
0x59: {  	_ =	shalt  }
0x5a: {  	_ =	shalt  }
0x5b: {  	_ =	shalt  }
0x5c: {  	_ =	shalt  }
0x5d: {  	_ =	shalt  }
0x5e: {  	_ =	shalt  }
0x5f: {  	_ =	shalt  }
0x60: {  	_ =	shalt  }
0x61: {  	_ =	shalt  }
0x62: {  	_ =	shalt  }
0x63: {  	_ =	shalt  }
0x64: {  	_ =	shalt  }
0x65: {  	_ =	shalt  }
0x66: {  	_ =	shalt  }
0x67: {  	_ =	shalt  }
0x68: {  	_ =	shalt  }
0x69: {  	_ =	shalt  }
0x6a: {  	_ =	shalt  }
0x6b: {  	_ =	shalt  }
0x6c: {  	_ =	shalt  }
0x6d: {  	_ =	shalt  }
0x6e: {  	_ =	shalt  }
0x6f: {  	_ =	shalt  }
0x70: {  	_ =	shalt  }
0x71: {  	_ =	shalt  }
0x72: {  	_ =	shalt  }
0x73: {  	_ =	shalt  }
0x74: {  	_ =	shalt  }
0x75: {  	_ =	shalt  }
0x76: {  	_ =	shalt  }
0x77: {  	_ =	shalt  }
0x78: {  	_ =	shalt  }
0x79: {  	_ =	shalt  }
0x7a: {  	_ =	shalt  }
0x7b: {  	_ =	shalt  }
0x7c: {  	_ =	shalt  }
0x7d: {  	_ =	shalt  }
0x7e: {  	_ =	shalt  }
0x7f: {  	_ =	shalt  }
0x80: {  	_ =	shalt  }
0x81: {  	_ =	shalt  }
0x82: {  	_ =	shalt  }
0x83: {  	_ =	shalt  }
0x84: {  	_ =	shalt  }
0x85: {  	_ =	shalt  }
0x86: {  	_ =	shalt  }
0x87: {  	_ =	shalt  }
.Lfunc_end0:
.L_simem_size_0:
called_computation_lowered:
.L_overlay_start_0:
0x88: {  	s2 =	sld [smem:$0x3FD9]  }
0x89: {  	s3 =	sld [smem:$0x3FFE];
	_ =	sdelay $0x1  }
0x8a: {  	s1 =	srdreg.scid  }
0x8b: {  	s0 =	sand.u32 $0x1, s1  }
0x8c: {  	s14 =	sshll.u32 s0, $0xA;
	s2 =	sadd.s32 s3, s2  }
0x8d: {  	s2 =	sadd.s32 s2, s14  }
0x8e: {  	[smem:$0x3FC4] =	sst s2  }
0x8f: {  	_ = 	snop  }
0x90: {  	s2 =	sld [smem:$0x3FD0];
	_ =	sdelay $0x1  }
0x91: {  	s15 =	sld [smem:$0x3FC9]  }
0x92: {  	s5 =	simm.s32 $0xA;
	s6 =	simm.s32 $0x10;
	s4 =	sld [smem:$0x3FC7]  }
0x93: {  	[smem:s6], [sflag:s5] =	dma.local [hbm:s2], $0x1  }
0x94: {  	_ =	swait.eq [sflag:s5], $0x1  }
0x95: {  	[sflag:s5] =	ssyncset.done $0x0  }
0x96: {  	s16 =	sld [smem:$0x10];
	[sflag:s5] =	ssyncadd.s32 $0xFFFFFFFF  }
0x97: {  	s17 =	sld [smem:$0x13];
	(tm) =	ssettm $0x1  }
0x98: {  	s18 =	sld [smem:$0x3FFB];
	_ =	sdelay $0x3  }
0x99: {  	_ =	strace s18  }
0x9a: {  	s6 =	sld [smem:$0x3FFC];
	_ =	sdelay $0x3  }
0x9b: {  	_ =	strace s6  }
0x9c: {  	s6 =	sld [smem:$0x3FFD];
	_ =	sdelay $0x3  }
0x9d: {  	_ =	strace s6  }
0x9e: {  	_ =	strace $0x8FFFFFFF  }
0x9f: {  	s19 =	sld [smem:$0x3FDB];
	_ =	sdelay $0x1  }
0xa0: {  	s7 =	simm.s32 $_scs_section_size  }
0xa1: {  	s8 =	simm.s32 $_size__tile_overlayer_lowered;
	s9 =	simm.s32 $_tile_overlayer_lowered  }
0xa2: {  	s22 =	simm.s32 $0x1BFF;
	s21 =	sshll.u32 s9, $0x1;
	s6 =	sadd.s32 s7, s19  }
0xa3: {  	s10 =	simm.s32 $0x0;
	s20 =	sshll.u32 s8, $0x1;
	s8 =	sadd.s32 s21, s6  }
0xa4: {  	[timem:s10], [sflag:s22] =	dma.local [hbm:s8], s20  }
0xa5: {  	_ =	swait.ge [sflag:s22], s20  }
0xa6: {  	s7 =	ssub.s32 $0x0, s20;
	[sflag:s22] =	ssyncset.done $0x0  }
0xa7: {  	[sflag:s22] =	ssyncadd.s32 s7;
	_ =	sdelay $0x1  }
0xa8: {  	s23 =	simm.s32 $0x1B8B  }
0xa9: {  	_ =	swait.ge [sflag:s23], $0x1  }
0xaa: {  	[sflag:s23] =	ssyncset.done $0x0  }
0xab: {  	s25 =	simm.s32 $0x1B8E;
	s24 =	sld [smem:$0x3FFE];
	[sflag:s23] =	ssyncadd.s32 $0xFFFFFFFF  }
0xac: {  	s26 =	simm.s32 $execute0_lowered;
	[smem:$0x3FD2] =	sst s25  }
0xad: {  	s8 =	sshll.u32 s26, $0x1;
	_ =	strace $0x80000046;
	[dreg:$0x1] =	wrdreg $0xFFFFFFFF  }
0xae: {  	s28 =	simm.s32 $_size_execute0_lowered;
	s6 =	sadd.s32 s6, s8;
	[dreg:$0x0] =	wrdreg $0x0  }
0xaf: {  	s8 =	sshll.u32 s28, $0x1;
	[dreg:$0x2] =	wrdreg s6  }
0xb0: {  	[dreg:$0x3] =	wrdreg s8  }
0xb1: {  	[dreg:$0x4] =	wrdreg $0xC0  }
0xb2: {  	_ =	task [dreg:s10], $0x5FFFF  }
0xb3: {  	[dreg:$0x1] =	wrdreg $0xFFFFFFFF  }
0xb4: {  	[dreg:$0x0] =	wrdreg $0x60  }
0xb5: {  	[dreg:$0x2] =	wrdreg s4  }
0xb6: {  	[dreg:$0x3] =	wrdreg s15  }
0xb7: {  	[dreg:$0x4] =	wrdreg s24  }
0xb8: {  	[dreg:$0x5] =	wrdreg s17  }
0xb9: {  	[dreg:$0x6] =	wrdreg s16  }
0xba: {  	[dreg:$0x7] =	wrdreg $0x9  }
0xbb: {  	_ =	task.clear_ibuf [dreg:s10], $0x8FFFF;
	_ =	strace $0x90000046  }
0xbc: {  	s29 =	simm.s32 $0x9;
	_ =	strace $0x80000048  }
0xbd: {  	_ =	swait.ge [sflag:s29], $0x1  }
0xbe: {  	[sflag:s29] =	ssyncadd.s32 $0xFFFFFFFF  }
0xbf: {  	_ =	strace $0x90000048  }
0xc0: {  	_ =	sfence  }
0xc1: {  	s30 =	sld [smem:$0x0];
	_ =	sdelay $0x2  }
0xc2: {  	s31 =	sshll.u32 s1, $0xD;
	s1 =	sshrl.u32 s1, $0x2  }
0xc3: {  	s3 =	sand.u32 $0x4000, s31;
	s1 =	sadd.s32 s1, s30  }
0xc4: {  	s0 =	sor.u32 s3, s0;
	s1 =	sshll.u32 s1, $0x11  }
0xc5: {  	s0 =	sor.u32 s1, s0  }
0xc6: {  	s0 =	sadd.s32 $0x8F2B, s0  }
0xc7: {  	[sflag:s0] =	ssyncadd.remote.s32 $0x1  }
0xc8: {  	_ =	sfence.sel $0xFFFF  }
0xc9: {  	[dreg:$0x0] =	wrdreg $0xFFFFFFFF;
	(pc) =	sbr.abs _section_cstart, $3  }
0xca: {  	[dreg:$0x1] =	wrdreg $0xFFFFFFFF  }
0xcb: {  	_ =	task.clear_ibuf [dreg:s10], $0x2FFFF;
	_ =	strace $0x9FFFFFFF  }
0xcc: {  	(tm) =	ssettm $0x7FFFFFFF  }
0xcd: {  	_ =	shalt  }
tec
execute0_lowered:
.L_overlay_start_1:
0x0: {  	(tag) =	ssettag $0x1  }
0x1: {  	s0 =	rddreg [dreg:$0x0]  }
0x2: {  	s2 =	rddreg [dreg:$0x1]  }
0x3: {  	s3 =	rddreg [dreg:$0x2]  }
0x4: {  	s7 =	rddreg [dreg:$0x3]  }
0x5: {  	s5 =	rddreg [dreg:$0x4];
	s1 =	simm.s32 $0x0;
	s4 =	srdreg.scid  }
0x6: {  	s9 =	stileid.u32;
	s14 =	simm.s32 $0x800;
	s30 =	simm.s32 $0x2800  }
0x7: {  	s31 =	simm.s32 $0x2C00;
	s12 =	simm.s32 $0x4800;
	s10 =	simm.s32 $0x7000  }
0x8: {  	[smem:$0x7FF] =	sst s1;
	s4 =	sand.u32 $0x1, s4;
	s3 =	sadd.s32 $0x1200, s3  }
0x9: {  	s8 =	sshll.u32 s9, $0x1;
	s9 =	sshrl.u32 s9, $0x1;
	_ =	strace $0x80000047  }
0xa: {  	[dreg:$0x6] =	wrdreg s3;
	s16 =	ssub.s32 $0x2, s4;
	s18 =	smul.u32 $0x240, s9  }
0xb: {  	s17 =	sand.u32 $0x2, s8;
	s19 =	sshll.u32 s9, $0x4;
	s9 =	smul.u32 $0x990, s9  }
0xc: {  	s6 =	sshrl.u32 s16, $0x1;
	s11 =	sor.u32 s4, s17;
	s5 =	sadd.s32 s5, s19  }
0xd: {  	s3 =	ssub.s32 s16, s6;
	s20 =	sadd.s32 s0, s18;
	s6 =	sadd.s32 s2, s19  }
0xe: {  	s7 =	sadd.s32 s7, s9;
	p0 =	seq.s32 s11, $0x1;
	s9 =	simm.s32 $0x80  }
0xf: {  	s25 =	sadd.s32 $0x80, s5;
	s26 =	sadd.s32 $0x800, s5;
	[dreg:$0x11] =	wrdreg s5  }
0x10: {  	s28 =	sadd.s32 $0x880, s5;
	p1 =	sne.s32 s11, $0x0;
	[dreg:$0x10] =	wrdreg s20  }
0x11: {  	s29 =	sadd.s32 $0x1000, s5;
	s11 =	simm.s32 $0x880;
	[dreg:$0xc] =	wrdreg s25  }
0x12: {  	s19 =	simm.s32 $0x3000;
	s16 =	simm.s32 $0x5000;
	[dreg:$0xd] =	wrdreg s26  }
0x13: {  	v0 =	vimm.s32 $0xDCBA9876;
	v1 =	vimm.s32 $0x543210FE;
	s18 =	simm.s32 $0x5C00;
	s5 =	simm.s32 $0x6C00;
	[dreg:$0xe] =	wrdreg s28  }
0x14: {  	v0 =	vunpack.c.l.s4.s8 v0;
	v1 =	vunpack.c.l.s4.s8 v1;
	s8 =	smax.u32 s3, $0x1;
	s0 =	sadd.s32 $0x10, s20;
	[dreg:$0xf] =	wrdreg s29  }
0x15: {  	s21 =	sadd.s32 $0x100, s20;
	s22 =	sadd.s32 $0x110, s20;
	[dreg:$0x7] =	wrdreg s0  }
.Ltmp0:
0x16: {  	v0 =	vunpack.c.0.s8.s32 v0;
	v1 =	vunpack.c.0.s8.s32 v1;
	s23 =	sadd.s32 $0x200, s20;
	[dreg:$0x8] =	wrdreg s21;
	(pc) =	sbr.rel .LBB2_1-.Ltmp0, $4  }
0x17: {  	s24 =	sadd.s32 $0x210, s20;
	s26 =	simm.s32 $0x4000;
	[dreg:$0x9] =	wrdreg s22  }
0x18: {  	v0 =	vcombine.low v1, v0;
	s3 =	simm.s32 $0x3C00;
	s20 =	simm.s32 $0x6000;
	[dreg:$0xa] =	wrdreg s23  }
0x19: {  	s25 =	simm.s32 $0x6400;
	[dreg:$0xb] =	wrdreg s24;
	s21 =	simm.s32 $0x1  }
0x1a: {  	s22 =	simm.s32 $0x4400;
	s23 =	simm.s32 $0x4C00;
	s24 =	simm.s32 $0x5400;
	v0 =	vand.u32 $0xF, v0  }
.LBB2_4:
0x1b: {  	s0 =	rddreg [dreg:$0x10];
	s2 =	simm.s32 $0x100  }
0x1c: {  	[tilespmem:s1], [sflag:$0x1] =	stream.strided.gather [hbm4b:s0+s9], $0x400, s2, s9, $0x38;
	[tilespmem:$0xA800] =	vst v63  }
0x1d: {  	s13 =	rddreg [dreg:$0x7];
	s15 =	simm.s32 $0x400  }
0x1e: {  	[tilespmem:s15], [sflag:$0x1] =	stream.strided.gather [hbm4b:s13+s9], $0x400, s2, s9, $0x38;
	[tilespmem:$0xA800] =	vst v63  }
0x1f: {  	s0 =	rddreg [dreg:$0x8]  }
0x20: {  	[tilespmem:s14], [sflag:$0x1] =	stream.strided.gather [hbm4b:s0+s9], $0x400, s2, s9, $0x38;
	[tilespmem:$0xA800] =	vst v63  }
0x21: {  	s4 =	rddreg [dreg:$0x9];
	s28 =	simm.s32 $0xC00  }
0x22: {  	[tilespmem:s28], [sflag:$0x1] =	stream.strided.gather [hbm4b:s4+s9], $0x400, s2, s9, $0x38;
	[tilespmem:$0xA800] =	vst v63  }
0x23: {  	s17 =	rddreg [dreg:$0xa];
	s29 =	simm.s32 $0x1000  }
0x24: {  	[tilespmem:s29], [sflag:$0x1] =	stream.strided.gather [hbm4b:s17+s9], $0x100, s2, s9, $0x38;
	[tilespmem:$0xA800] =	vst v63  }
0x25: {  	s0 =	rddreg [dreg:$0xb];
	s17 =	simm.s32 $0x1400  }
0x26: {  	[tilespmem:s17], [sflag:$0x1] =	stream.strided.gather [hbm4b:s0+s9], $0x100, s2, s9, $0x38;
	[tilespmem:$0xA800] =	vst v63  }
0x27: {  	_ =	swait.ge [sflag:s21], $0x1200  }
0x28: {  	[sflag:s21] =	ssyncset.done $0x0  }
0x29: {  	s0 =	rddreg [dreg:$0x11];
	[sflag:s21] =	ssyncadd.s32 $0xFFFFEE00  }
0x2a: {  	[hbm4b:s0+s9] =	stream.strided.scatter [tilespmem:s1], [sflag:$0x1], $0x400, s14, s9, $0x38;
	[tilespmem:$0xA800] =	vst v63  }
0x2b: {  	s2 =	rddreg [dreg:$0xc]  }
0x2c: {  	[hbm4b:s2+s9] =	stream.strided.scatter [tilespmem:s15], [sflag:$0x1], $0x400, s14, s9, $0x38;
	[tilespmem:$0xA800] =	vst v63  }
0x2d: {  	s4 =	rddreg [dreg:$0xd]  }
0x2e: {  	[hbm4b:s4+s9] =	stream.strided.scatter [tilespmem:s14], [sflag:$0x1], $0x400, s14, s9, $0x38;
	[tilespmem:$0xA800] =	vst v63  }
0x2f: {  	s15 =	rddreg [dreg:$0xe]  }
0x30: {  	[hbm4b:s15+s9] =	stream.strided.scatter [tilespmem:s28], [sflag:$0x1], $0x400, s14, s9, $0x38;
	[tilespmem:$0xA800] =	vst v63  }
0x31: {  	s28 =	rddreg [dreg:$0xf]  }
0x32: {  	[hbm4b:s28+s9] =	stream.strided.scatter [tilespmem:s29], [sflag:$0x1], $0x100, s14, s9, $0x38;
	[tilespmem:$0xA800] =	vst v63  }
0x33: {  	s29 =	sadd.s32 $0x1080, s0  }
0x34: {  	[hbm4b:s29+s9] =	stream.strided.scatter [tilespmem:s17], [sflag:$0x1], $0x100, s14, s9, $0x38;
	[tilespmem:$0xA800] =	vst v63  }
0x35: {  	_ =	swait.ge [sflag:s21], $0x1200  }
0x36: {  	[sflag:s21] =	ssyncset.done $0x0  }
0x37: {  	[sflag:s21] =	ssyncadd.s32 $0xFFFFEE00  }
.LBB2_5:
0x38: {  	s8 =	sadd.s32 $0xFFFFFFFF, s8  }
0x39: {  	p2 =	sne.s32 s8, $0x0  }
.Ltmp1:
0x3a: {  	_ = 	snop;
	(pc) =	sbr.rel @!p2 .LBB2_6-.Ltmp1, $1  }
0x3b: {  	_ =	sdelay $0x3  }
.LBB2_1:
.Ltmp2:
0x3c: {  	(pc) =	sbr.rel @p0 .LBB2_4-.Ltmp2, $1  }
0x3d: {  	_ =	sdelay $0x3  }
.Ltmp3:
0x3e: {  	(pc) =	sbr.rel @p1 .LBB2_5-.Ltmp3, $1  }
0x3f: {  	_ =	sdelay $0x3  }
0x40: {  	s15 =	simm.s32 $0x1800  }
0x41: {  	[tilespmem:s15], [sflag:$0x1] =	stream.strided.gather [hbm4b:s6+s9], $0x400, s26, s9, $0x38;
	[tilespmem:$0xA800] =	vst v63  }
0x42: {  	s13 =	sadd.s32 $0x80, s6;
	s17 =	simm.s32 $0x1C00  }
0x43: {  	[tilespmem:s17], [sflag:$0x1] =	stream.strided.gather [hbm4b:s13+s9], $0x400, s26, s9, $0x38;
	[tilespmem:$0xA800] =	vst v63  }
0x44: {  	s29 =	sadd.s32 $0x100, s6;
	s28 =	simm.s32 $0x2000  }
0x45: {  	[tilespmem:s28], [sflag:$0x1] =	stream.strided.gather [hbm4b:s29+s9], $0x400, s26, s9, $0x38;
	[tilespmem:$0xA800] =	vst v63  }
0x46: {  	s0 =	sadd.s32 $0x180, s6;
	s29 =	simm.s32 $0x2400  }
0x47: {  	[tilespmem:s29], [sflag:$0x1] =	stream.strided.gather [hbm4b:s0+s9], $0x400, s26, s9, $0x38;
	[tilespmem:$0xA800] =	vst v63  }
0x48: {  	s2 =	sadd.s32 $0x200, s6  }
0x49: {  	[tilespmem:s30], [sflag:$0x1] =	stream.strided.gather [hbm4b:s2+s9], $0x400, s26, s9, $0x38;
	[tilespmem:$0xA800] =	vst v63  }
0x4a: {  	s4 =	sadd.s32 $0x280, s6  }
0x4b: {  	[tilespmem:s31], [sflag:$0x1] =	stream.strided.gather [hbm4b:s4+s9], $0x400, s26, s9, $0x38;
	[tilespmem:$0xA800] =	vst v63  }
0x4c: {  	s0 =	sadd.s32 $0x300, s6  }
0x4d: {  	[tilespmem:s19], [sflag:$0x1] =	stream.strided.gather [hbm4b:s0+s9], $0x400, s26, s9, $0x38;
	[tilespmem:$0xA800] =	vst v63  }
0x4e: {  	s2 =	sadd.s32 $0x380, s6;
	s0 =	simm.s32 $0x3400  }
0x4f: {  	[tilespmem:s0], [sflag:$0x1] =	stream.strided.gather [hbm4b:s2+s9], $0x400, s26, s9, $0x38;
	[tilespmem:$0xA800] =	vst v63  }
0x50: {  	s4 =	sadd.s32 $0x400, s6;
	s2 =	simm.s32 $0x3800  }
0x51: {  	[tilespmem:s2], [sflag:$0x1] =	stream.strided.gather [hbm4b:s4+s9], $0x400, s26, s9, $0x38;
	[tilespmem:$0xA800] =	vst v63  }
0x52: {  	s4 =	sadd.s32 $0x480, s6  }
0x53: {  	[tilespmem:s3], [sflag:$0x1] =	stream.strided.gather [hbm4b:s4+s9], $0x400, s26, s9, $0x38;
	[tilespmem:$0xA800] =	vst v63  }
0x54: {  	s4 =	sadd.s32 $0x500, s6  }
0x55: {  	[tilespmem:s26], [sflag:$0x1] =	stream.strided.gather [hbm4b:s4+s9], $0x400, s26, s9, $0x38;
	[tilespmem:$0xA800] =	vst v63  }
0x56: {  	s4 =	sadd.s32 $0x580, s6  }
0x57: {  	[tilespmem:s22], [sflag:$0x1] =	stream.strided.gather [hbm4b:s4+s9], $0x400, s26, s9, $0x38;
	[tilespmem:$0xA800] =	vst v63  }
0x58: {  	s4 =	sadd.s32 $0x600, s6  }
0x59: {  	[tilespmem:s12], [sflag:$0x1] =	stream.strided.gather [hbm4b:s4+s9], $0x400, s26, s9, $0x38;
	[tilespmem:$0xA800] =	vst v63  }
0x5a: {  	s4 =	sadd.s32 $0x680, s6  }
0x5b: {  	[tilespmem:s23], [sflag:$0x1] =	stream.strided.gather [hbm4b:s4+s9], $0x400, s26, s9, $0x38;
	[tilespmem:$0xA800] =	vst v63  }
0x5c: {  	s4 =	sadd.s32 $0x700, s6  }
0x5d: {  	[tilespmem:s16], [sflag:$0x1] =	stream.strided.gather [hbm4b:s4+s9], $0x400, s26, s9, $0x38;
	[tilespmem:$0xA800] =	vst v63  }
0x5e: {  	s4 =	sadd.s32 $0x780, s6  }
0x5f: {  	[tilespmem:s24], [sflag:$0x1] =	stream.strided.gather [hbm4b:s4+s9], $0x400, s26, s9, $0x38;
	[tilespmem:$0xA800] =	vst v63  }
0x60: {  	s4 =	sadd.s32 $0x4000, s6  }
0x61: {  	[tilespmem:s18], [sflag:$0x1] =	stream.linear.gather [hbm4b:s4+s1], $0x80, $0x38;
	[tilespmem:$0xA800] =	vst v63  }
0x62: {  	s4 =	sadd.s32 $0x4080, s6  }
0x63: {  	[tilespmem:s20], [sflag:$0x1] =	stream.linear.gather [hbm4b:s4+s1], $0x80, $0x38;
	[tilespmem:$0xA800] =	vst v63  }
0x64: {  	s4 =	sadd.s32 $0x4100, s6  }
0x65: {  	[tilespmem:s25], [sflag:$0x1] =	stream.linear.gather [hbm4b:s4+s1], $0x80, $0x38;
	[tilespmem:$0xA800] =	vst v63  }
0x66: {  	s13 =	sadd.s32 $0x4180, s6;
	s4 =	simm.s32 $0x6800  }
0x67: {  	[tilespmem:s4], [sflag:$0x1] =	stream.linear.gather [hbm4b:s13+s1], $0x80, $0x38;
	[tilespmem:$0xA800] =	vst v63  }
0x68: {  	s4 =	sadd.s32 $0x4200, s6  }
0x69: {  	[tilespmem:s5], [sflag:$0x1] =	stream.linear.gather [hbm4b:s4+s1], $0x80, $0x38;
	[tilespmem:$0xA800] =	vst v63  }
0x6a: {  	s4 =	sadd.s32 $0x4280, s6  }
0x6b: {  	[tilespmem:s10], [sflag:$0x1] =	stream.linear.gather [hbm4b:s4+s1], $0x80, $0x38;
	[tilespmem:$0xA800] =	vst v63  }
0x6c: {  	s13 =	sadd.s32 $0x4300, s6;
	s4 =	simm.s32 $0x7400  }
0x6d: {  	[tilespmem:s4], [sflag:$0x1] =	stream.linear.gather [hbm4b:s13+s1], $0x80, $0x38;
	[tilespmem:$0xA800] =	vst v63  }
0x6e: {  	s13 =	sadd.s32 $0x4380, s6;
	s4 =	simm.s32 $0x7800  }
0x6f: {  	[tilespmem:s4], [sflag:$0x1] =	stream.linear.gather [hbm4b:s13+s1], $0x80, $0x38;
	[tilespmem:$0xA800] =	vst v63  }
0x70: {  	s13 =	sadd.s32 $0x4400, s6;
	s4 =	simm.s32 $0x7C00  }
0x71: {  	[tilespmem:s4], [sflag:$0x1] =	stream.linear.gather [hbm4b:s13+s1], $0x80, $0x38;
	[tilespmem:$0xA800] =	vst v63  }
0x72: {  	s13 =	sadd.s32 $0x4480, s6;
	s4 =	simm.s32 $0x8000  }
0x73: {  	[tilespmem:s4], [sflag:$0x1] =	stream.linear.gather [hbm4b:s13+s1], $0x80, $0x38;
	[tilespmem:$0xA800] =	vst v63  }
0x74: {  	s13 =	sadd.s32 $0x4500, s6;
	s4 =	simm.s32 $0x8400  }
0x75: {  	[tilespmem:s4], [sflag:$0x1] =	stream.linear.gather [hbm4b:s13+s1], $0x80, $0x38;
	[tilespmem:$0xA800] =	vst v63  }
0x76: {  	s13 =	sadd.s32 $0x4580, s6;
	s4 =	simm.s32 $0x8800  }
0x77: {  	[tilespmem:s4], [sflag:$0x1] =	stream.linear.gather [hbm4b:s13+s1], $0x80, $0x38;
	[tilespmem:$0xA800] =	vst v63  }
0x78: {  	s13 =	sadd.s32 $0x4600, s6;
	s4 =	simm.s32 $0x8C00  }
0x79: {  	[tilespmem:s4], [sflag:$0x1] =	stream.linear.gather [hbm4b:s13+s1], $0x80, $0x38;
	[tilespmem:$0xA800] =	vst v63  }
0x7a: {  	s13 =	sadd.s32 $0x4680, s6;
	s4 =	simm.s32 $0x9000  }
0x7b: {  	[tilespmem:s4], [sflag:$0x1] =	stream.linear.gather [hbm4b:s13+s1], $0x80, $0x38;
	[tilespmem:$0xA800] =	vst v63  }
0x7c: {  	s13 =	sadd.s32 $0x4700, s6;
	s4 =	simm.s32 $0x9400  }
0x7d: {  	[tilespmem:s4], [sflag:$0x1] =	stream.linear.gather [hbm4b:s13+s1], $0x80, $0x38;
	[tilespmem:$0xA800] =	vst v63  }
0x7e: {  	s13 =	sadd.s32 $0x4780, s6;
	s4 =	simm.s32 $0x9800  }
0x7f: {  	[tilespmem:s4], [sflag:$0x1] =	stream.linear.gather [hbm4b:s13+s1], $0x80, $0x38;
	[tilespmem:$0xA800] =	vst v63  }
0x80: {  	_ =	swait.ge [sflag:s21], $0x4800  }
0x81: {  	[sflag:s21] =	ssyncset.done $0x0  }
0x82: {  	s4 =	simm.s32 $0xA000;
	s13 =	rddreg [dreg:$0x6];
	[sflag:s21] =	ssyncadd.s32 $0xFFFFB800  }
0x83: {  	[tilespmem:s4], [sflag:$0x1] =	stream.linear.gather [hbm4b:s13+s1], $0x480, $0x38;
	[tilespmem:$0xA800] =	vst v63  }
0x84: {  	_ =	swait.ge [sflag:s21], $0x480  }
0x85: {  	[sflag:s21] =	ssyncset.done $0x0  }
0x86: {  	[sflag:s21] =	ssyncadd.s32 $0xFFFFFB80  }
0x87: {  	v1 =	vld [tilespmem:$0xA000];
	_ =	sdelay $0x4  }
0x88: {  	v1 =	vperm.xlane v1, v0;
	_ =	sdelay $0x1  }
0x89: {  	s13 =	simm.s32 $0x5810;
	[tilespmem:$0x5800] =	vst v1  }
0x8a: {  	[tilespmem:s13+$0x0] =	vst.msk $0x3, v1  }
0x8b: {  	v1 =	vld [tilespmem:$0xA080];
	_ =	sdelay $0x4  }
0x8c: {  	v1 =	vperm.xlane v1, v0;
	_ =	sdelay $0x1  }
0x8d: {  	s13 =	simm.s32 $0x5890;
	[tilespmem:$0x5880] =	vst v1  }
0x8e: {  	[tilespmem:s13+$0x0] =	vst.msk $0x3, v1  }
0x8f: {  	v1 =	vld [tilespmem:$0xA100];
	_ =	sdelay $0x4  }
0x90: {  	v1 =	vperm.xlane v1, v0;
	_ =	sdelay $0x1  }
0x91: {  	s13 =	simm.s32 $0x5910;
	[tilespmem:$0x5900] =	vst v1  }
0x92: {  	[tilespmem:s13+$0x0] =	vst.msk $0x3, v1  }
0x93: {  	v1 =	vld [tilespmem:$0xA180];
	_ =	sdelay $0x4  }
0x94: {  	v1 =	vperm.xlane v1, v0;
	_ =	sdelay $0x1  }
0x95: {  	s13 =	simm.s32 $0x5990;
	[tilespmem:$0x5980] =	vst v1  }
0x96: {  	[tilespmem:s13+$0x0] =	vst.msk $0x3, v1  }
0x97: {  	v1 =	vld [tilespmem:$0xA200];
	_ =	sdelay $0x4  }
0x98: {  	v1 =	vperm.xlane v1, v0;
	_ =	sdelay $0x1  }
0x99: {  	s13 =	simm.s32 $0x5A10;
	[tilespmem:$0x5A00] =	vst v1  }
0x9a: {  	[tilespmem:s13+$0x0] =	vst.msk $0x3, v1  }
0x9b: {  	v1 =	vld [tilespmem:$0xA280];
	_ =	sdelay $0x4  }
0x9c: {  	v1 =	vperm.xlane v1, v0;
	_ =	sdelay $0x1  }
0x9d: {  	s13 =	simm.s32 $0x5A90;
	[tilespmem:$0x5A80] =	vst v1  }
0x9e: {  	[tilespmem:s13+$0x0] =	vst.msk $0x3, v1  }
0x9f: {  	v1 =	vld [tilespmem:$0xA300];
	_ =	sdelay $0x4  }
0xa0: {  	v1 =	vperm.xlane v1, v0;
	_ =	sdelay $0x1  }
0xa1: {  	s13 =	simm.s32 $0x5B10;
	[tilespmem:$0x5B00] =	vst v1  }
0xa2: {  	[tilespmem:s13+$0x0] =	vst.msk $0x3, v1  }
0xa3: {  	v1 =	vld [tilespmem:$0xA380];
	_ =	sdelay $0x4  }
0xa4: {  	v1 =	vperm.xlane v1, v0;
	_ =	sdelay $0x1  }
0xa5: {  	s13 =	simm.s32 $0x5B90;
	[tilespmem:$0x5B80] =	vst v1  }
0xa6: {  	[tilespmem:s13+$0x0] =	vst.msk $0x3, v1  }
0xa7: {  	v1 =	vld [tilespmem:$0xA400];
	_ =	sdelay $0x4  }
0xa8: {  	v1 =	vperm.xlane v1, v0;
	_ =	sdelay $0x1  }
0xa9: {  	s13 =	simm.s32 $0x9C10;
	[tilespmem:$0x9C00] =	vst v1  }
0xaa: {  	[tilespmem:s13+$0x0] =	vst.msk $0x3, v1  }
0xab: {  	[hbm4b:s7+s9] =	stream.strided.scatter [tilespmem:s15], [sflag:$0x1], $0x400, s11, s9, $0x38;
	[tilespmem:$0xA800] =	vst v63  }
0xac: {  	s15 =	sadd.s32 $0x10, s7  }
0xad: {  	[hbm4b:s15+s9] =	stream.strided.scatter [tilespmem:s17], [sflag:$0x1], $0x400, s11, s9, $0x38;
	[tilespmem:$0xA800] =	vst v63  }
0xae: {  	s17 =	sadd.s32 $0x20, s7  }
0xaf: {  	[hbm4b:s17+s9] =	stream.strided.scatter [tilespmem:s28], [sflag:$0x1], $0x400, s11, s9, $0x38;
	[tilespmem:$0xA800] =	vst v63  }
0xb0: {  	s28 =	sadd.s32 $0x30, s7  }
0xb1: {  	[hbm4b:s28+s9] =	stream.strided.scatter [tilespmem:s29], [sflag:$0x1], $0x400, s11, s9, $0x38;
	[tilespmem:$0xA800] =	vst v63  }
0xb2: {  	s4 =	sadd.s32 $0x40, s7  }
0xb3: {  	[hbm4b:s4+s9] =	stream.strided.scatter [tilespmem:s30], [sflag:$0x1], $0x400, s11, s9, $0x38;
	[tilespmem:$0xA800] =	vst v63  }
0xb4: {  	s15 =	sadd.s32 $0x50, s7  }
0xb5: {  	[hbm4b:s15+s9] =	stream.strided.scatter [tilespmem:s31], [sflag:$0x1], $0x400, s11, s9, $0x38;
	[tilespmem:$0xA800] =	vst v63  }
0xb6: {  	s17 =	sadd.s32 $0x60, s7  }
0xb7: {  	[hbm4b:s17+s9] =	stream.strided.scatter [tilespmem:s19], [sflag:$0x1], $0x400, s11, s9, $0x38;
	[tilespmem:$0xA800] =	vst v63  }
0xb8: {  	s28 =	sadd.s32 $0x70, s7  }
0xb9: {  	[hbm4b:s28+s9] =	stream.strided.scatter [tilespmem:s0], [sflag:$0x1], $0x400, s11, s9, $0x38;
	[tilespmem:$0xA800] =	vst v63  }
0xba: {  	s29 =	sadd.s32 $0x80, s7  }
0xbb: {  	[hbm4b:s29+s9] =	stream.strided.scatter [tilespmem:s2], [sflag:$0x1], $0x400, s11, s9, $0x38;
	[tilespmem:$0xA800] =	vst v63  }
0xbc: {  	s0 =	sadd.s32 $0x90, s7  }
0xbd: {  	[hbm4b:s0+s9] =	stream.strided.scatter [tilespmem:s3], [sflag:$0x1], $0x400, s11, s9, $0x38;
	[tilespmem:$0xA800] =	vst v63  }
0xbe: {  	s2 =	sadd.s32 $0xA0, s7  }
0xbf: {  	[hbm4b:s2+s9] =	stream.strided.scatter [tilespmem:s26], [sflag:$0x1], $0x400, s11, s9, $0x38;
	[tilespmem:$0xA800] =	vst v63  }
0xc0: {  	s4 =	sadd.s32 $0xB0, s7  }
0xc1: {  	[hbm4b:s4+s9] =	stream.strided.scatter [tilespmem:s22], [sflag:$0x1], $0x400, s11, s9, $0x38;
	[tilespmem:$0xA800] =	vst v63  }
0xc2: {  	s15 =	sadd.s32 $0xC0, s7  }
0xc3: {  	[hbm4b:s15+s9] =	stream.strided.scatter [tilespmem:s12], [sflag:$0x1], $0x400, s11, s9, $0x38;
	[tilespmem:$0xA800] =	vst v63  }
0xc4: {  	s17 =	sadd.s32 $0xD0, s7  }
0xc5: {  	[hbm4b:s17+s9] =	stream.strided.scatter [tilespmem:s23], [sflag:$0x1], $0x400, s11, s9, $0x38;
	[tilespmem:$0xA800] =	vst v63  }
0xc6: {  	s28 =	sadd.s32 $0xE0, s7  }
0xc7: {  	[hbm4b:s28+s9] =	stream.strided.scatter [tilespmem:s16], [sflag:$0x1], $0x400, s11, s9, $0x38;
	[tilespmem:$0xA800] =	vst v63  }
0xc8: {  	s29 =	sadd.s32 $0xF0, s7  }
0xc9: {  	[hbm4b:s29+s9] =	stream.strided.scatter [tilespmem:s24], [sflag:$0x1], $0x400, s11, s9, $0x38;
	[tilespmem:$0xA800] =	vst v63  }
0xca: {  	s0 =	sadd.s32 $0x100, s7;
	s2 =	simm.s32 $0x5800  }
0xcb: {  	[hbm4b:s0+s9] =	stream.strided.scatter [tilespmem:s2], [sflag:$0x1], $0x400, s11, s9, $0x38;
	[tilespmem:$0xA800] =	vst v63  }
0xcc: {  	s4 =	sadd.s32 $0x880, s7  }
0xcd: {  	[hbm4b:s4+s1] =	stream.linear.scatter [tilespmem:s18], [sflag:$0x1], $0x80, $0x38;
	[tilespmem:$0xA800] =	vst v63  }
0xce: {  	s15 =	sadd.s32 $0x890, s7  }
0xcf: {  	[hbm4b:s15+s1] =	stream.linear.scatter [tilespmem:s20], [sflag:$0x1], $0x80, $0x38;
	[tilespmem:$0xA800] =	vst v63  }
0xd0: {  	s17 =	sadd.s32 $0x8A0, s7  }
0xd1: {  	[hbm4b:s17+s1] =	stream.linear.scatter [tilespmem:s25], [sflag:$0x1], $0x80, $0x38;
	[tilespmem:$0xA800] =	vst v63  }
0xd2: {  	s28 =	sadd.s32 $0x8B0, s7;
	s29 =	simm.s32 $0x6800  }
0xd3: {  	[hbm4b:s28+s1] =	stream.linear.scatter [tilespmem:s29], [sflag:$0x1], $0x80, $0x38;
	[tilespmem:$0xA800] =	vst v63  }
0xd4: {  	s2 =	sadd.s32 $0x8C0, s7  }
0xd5: {  	[hbm4b:s2+s1] =	stream.linear.scatter [tilespmem:s5], [sflag:$0x1], $0x80, $0x38;
	[tilespmem:$0xA800] =	vst v63  }
0xd6: {  	s4 =	sadd.s32 $0x8D0, s7  }
0xd7: {  	[hbm4b:s4+s1] =	stream.linear.scatter [tilespmem:s10], [sflag:$0x1], $0x80, $0x38;
	[tilespmem:$0xA800] =	vst v63  }
0xd8: {  	s15 =	sadd.s32 $0x8E0, s7;
	s17 =	simm.s32 $0x7400  }
0xd9: {  	[hbm4b:s15+s1] =	stream.linear.scatter [tilespmem:s17], [sflag:$0x1], $0x80, $0x38;
	[tilespmem:$0xA800] =	vst v63  }
0xda: {  	s28 =	sadd.s32 $0x8F0, s7;
	s29 =	simm.s32 $0x7800  }
0xdb: {  	[hbm4b:s28+s1] =	stream.linear.scatter [tilespmem:s29], [sflag:$0x1], $0x80, $0x38;
	[tilespmem:$0xA800] =	vst v63  }
0xdc: {  	s2 =	sadd.s32 $0x900, s7;
	s4 =	simm.s32 $0x7C00  }
0xdd: {  	[hbm4b:s2+s1] =	stream.linear.scatter [tilespmem:s4], [sflag:$0x1], $0x80, $0x38;
	[tilespmem:$0xA800] =	vst v63  }
0xde: {  	s15 =	sadd.s32 $0x910, s7;
	s17 =	simm.s32 $0x8000  }
0xdf: {  	[hbm4b:s15+s1] =	stream.linear.scatter [tilespmem:s17], [sflag:$0x1], $0x80, $0x38;
	[tilespmem:$0xA800] =	vst v63  }
0xe0: {  	s28 =	sadd.s32 $0x920, s7;
	s29 =	simm.s32 $0x8400  }
0xe1: {  	[hbm4b:s28+s1] =	stream.linear.scatter [tilespmem:s29], [sflag:$0x1], $0x80, $0x38;
	[tilespmem:$0xA800] =	vst v63  }
0xe2: {  	s2 =	sadd.s32 $0x930, s7;
	s4 =	simm.s32 $0x8800  }
0xe3: {  	[hbm4b:s2+s1] =	stream.linear.scatter [tilespmem:s4], [sflag:$0x1], $0x80, $0x38;
	[tilespmem:$0xA800] =	vst v63  }
0xe4: {  	s15 =	sadd.s32 $0x940, s7;
	s17 =	simm.s32 $0x8C00  }
0xe5: {  	[hbm4b:s15+s1] =	stream.linear.scatter [tilespmem:s17], [sflag:$0x1], $0x80, $0x38;
	[tilespmem:$0xA800] =	vst v63  }
0xe6: {  	s28 =	sadd.s32 $0x950, s7;
	s29 =	simm.s32 $0x9000  }
0xe7: {  	[hbm4b:s28+s1] =	stream.linear.scatter [tilespmem:s29], [sflag:$0x1], $0x80, $0x38;
	[tilespmem:$0xA800] =	vst v63  }
0xe8: {  	s2 =	sadd.s32 $0x960, s7;
	s4 =	simm.s32 $0x9400  }
0xe9: {  	[hbm4b:s2+s1] =	stream.linear.scatter [tilespmem:s4], [sflag:$0x1], $0x80, $0x38;
	[tilespmem:$0xA800] =	vst v63  }
0xea: {  	s15 =	sadd.s32 $0x970, s7;
	s17 =	simm.s32 $0x9800  }
0xeb: {  	[hbm4b:s15+s1] =	stream.linear.scatter [tilespmem:s17], [sflag:$0x1], $0x80, $0x38;
	[tilespmem:$0xA800] =	vst v63  }
.Ltmp4:
0xec: {  	s28 =	sadd.s32 $0x980, s7;
	s29 =	simm.s32 $0x9C00;
	(pc) =	sbr.rel .LBB2_5-.Ltmp4, $4  }
0xed: {  	[hbm4b:s28+s1] =	stream.linear.scatter [tilespmem:s29], [sflag:$0x1], $0x80, $0x38;
	[tilespmem:$0xA800] =	vst v63  }
0xee: {  	_ =	swait.ge [sflag:s21], $0x4C80  }
0xef: {  	[sflag:s21] =	ssyncset.done $0x0  }
0xf0: {  	[sflag:s21] =	ssyncadd.s32 $0xFFFFB380  }
.LBB2_6:
0xf1: {  	_ =	sfence.sel $0x180000  }
0xf2: {  	[bflag:$0x0] =	sbarrier.arrive $0xFFFF  }
0xf3: {  	_ =	strace $0x90000047  }
0xf4: {  	s0 =	stileid.u32;
	[bflag:$0x2] =	sbarrier.arrive $0xFFFF  }
0xf5: {  	p0 =	sne.s32 s0, $0x0;
	s0 =	rddreg [dreg:$0x5]  }
0xf6: {  	s0 =	sadd.s32 @!p0 $0x100000, s0  }
0xf7: {  	[sflag:s0] =	ssyncadd.tile.s32 @!p0 $0x1;
	_ =	shalt  }
.Lfunc_end2:
_tile_overlayer_lowered:
.L_overlay_start_2:
0xf8: {  	(tag) =	ssettag $0x2  }
0xf9: {  	s0 =	rddreg [dreg:$0x0];
	s2 =	stileid.u32  }
0xfa: {  	s1 =	rddreg [dreg:$0x1];
	p0 =	sne.s32 s2, $0x0  }
0xfb: {  	s3 =	rddreg [dreg:$0x2];
	[bflag:$0x3] =	sbarrier.arrive $0xFFFF;
	s2 =	simm.s32 @!p0 $0x1C02  }
0xfc: {  	[timem:s3], [sflag:s2] =	dma.local @!p0 [hbm:s0], s1  }
0xfd: {  	s0 =	simm.s32 @!p0 $0x2  }
0xfe: {  	_ =	swait.ge @!p0 [sflag:s0], s1  }
0xff: {  	s1 =	ssub.s32 @!p0 $0x0, s1;
	[sflag:s0] =	ssyncset.done @!p0 $0x0  }
0x100: {  	[sflag:s0] =	ssyncadd.s32 @!p0 s1  }
0x101: {  	[bflag:$0x3] =	sbarrier.arrive $0xFFFF  }
0x102: {  	_ =	shalt  }

</sc_bundles>
